<compile_context>
chip_gen: v7x
topology: tpu7x:2x2x1
jax: 0.10.2.dev20260603
libtpu: 0.0.44.dev20260713+nightly
codegen_flags: <defaults>
</compile_context>

<pallas_src>
import jax
import jax.numpy as jnp
from jax import lax
from jax.experimental import pallas as pl
from jax.experimental.pallas import tpu as pltpu
from jax.experimental.pallas import tpu_sc as plsc

SEQ = 9
DM = 1024
ROWS = 2048
LANES = 16


def _sc_renorm(w_hbm, pe_hbm, row_v, sem):
    wid = lax.axis_index("s") * 2 + lax.axis_index("c")

    @pl.when(wid < SEQ)
    def _():
        pltpu.sync_copy(w_hbm.at[wid], row_v)
        acc = jnp.zeros((LANES,), jnp.float32)
        for i in range(DM // LANES):
            v = row_v[pl.ds(i * LANES, LANES)]
            acc = acc + v * v
        s0 = acc[0]
        for i in range(1, LANES):
            s0 = s0 + acc[i]
        ss = jnp.full((LANES,), s0, jnp.float32)
        y = lax.bitcast_convert_type(
            0x5F3759DF - (lax.bitcast_convert_type(ss, jnp.int32) >> 1),
            jnp.float32,
        )
        for _ in range(4):
            y = y * (1.5 - 0.5 * ss * y * y)
        norm = ss * y
        scale = jnp.where(norm > 1.0, y * (1.0 - 1e-7 * y), 1.0)
        for i in range(DM // LANES):
            sl = pl.ds(i * LANES, LANES)
            row_v[sl] = row_v[sl] * scale
        pltpu.sync_copy(row_v, pe_hbm.at[wid])


_renorm_table = pl.kernel(
    _sc_renorm,
    out_type=jax.ShapeDtypeStruct((SEQ, DM), jnp.float32),
    scratch_types=[
        pltpu.VMEM((DM,), jnp.float32),
        pltpu.SemaphoreType.DMA,
    ],
    mesh=plsc.VectorSubcoreMesh(core_axis_name="c", subcore_axis_name="s"),
)


def _tc_add(x_ref, pe_ref, o_ref):
    o_ref[...] = x_ref[...] + pe_ref[...][:, :, None, :]


def kernel(x, W):
    B = x.shape[0]
    pe = _renorm_table(W)
    pe3 = pe.reshape(SEQ, 1, DM)
    return pl.pallas_call(
        _tc_add,
        grid=(B, SEQ),
        in_specs=[
            pl.BlockSpec((1, 1, ROWS, DM), lambda b, s: (b, s, 0, 0)),
            pl.BlockSpec((1, 1, DM), lambda b, s: (s, 0, 0)),
        ],
        out_specs=pl.BlockSpec((1, 1, ROWS, DM), lambda b, s: (b, s, 0, 0)),
        out_shape=jax.ShapeDtypeStruct(x.shape, x.dtype),
        compiler_params=pltpu.CompilerParams(
            dimension_semantics=("arbitrary", "arbitrary"),
        ),
    )(x, pe3)

# --- scband reference (transcript-rebuilt; emitter-appended) ---
"""Pipeline reference for scband-learnedbb3d-encoding-63273458205041 (READ-ONLY COPY).

The authoritative reference and input builder live on the scoring server;
editing this copy changes nothing except your own understanding.
"""

import jax, jax.numpy as jnp
import numpy as np

SEQ_LEN = 9
D_MODEL = 1024

def setup_inputs(seed: int = 0) -> dict:
    key = jax.random.key(seed)
    k1, k2 = jax.random.split(key)
    x = jax.random.normal(k1, (2, SEQ_LEN, 2048, D_MODEL), dtype=jnp.float32)
    # learned embedding table (nn.Embedding(seq_len, d_model, max_norm=True))
    W = jax.random.normal(k2, (SEQ_LEN, D_MODEL), dtype=jnp.float32)
    return {"x": x, "W": W}

def reference(x, W):
    # gather all rows: learned_encoding(arange(seq_len))
    idx = jnp.arange(SEQ_LEN)
    emb = jnp.take(W, idx, axis=0)
    # PyTorch Embedding max_norm=True -> max_norm=1.0, norm_type=2:
    # rows with L2 norm > 1 are renormalized to norm 1 at lookup time
    norms = jnp.linalg.norm(emb, axis=-1, keepdims=True)
    scale = jnp.where(norms > 1.0, 1.0 / (norms + 1e-7), 1.0)
    emb = emb * scale
    # unsqueeze(1).unsqueeze(0): [seq_len, d] -> [1, seq_len, 1, d]
    pe = emb[None, :, None, :]
    # dropout in eval mode is identity
    return x + pe

if __name__ == "__main__":
    import jax
    _d = setup_inputs()
    print(jax.jit(kernel)(*tuple(_d.values())))

</pallas_src>

<mosaic_0001>
#map = affine_map<(d0, d1) -> (0, 0)>
module attributes {stable_mosaic.version = 14 : i64} {
  func.func @_sc_renorm(%arg0: i32, %arg1: i32, %arg2: memref<9x1024xf32, #tpu.memory_space<hbm>>, %arg3: memref<9x1024xf32, #tpu.memory_space<hbm>>, %arg4: memref<1024xf32, #tpu.memory_space<vmem>>, %arg5: memref<!tpu.dma_semaphore, #tpu.memory_space<semaphore_mem>>) attributes {dimension_semantics = [#tpu.dimension_semantics<core_parallel>, #tpu.dimension_semantics<subcore_parallel>], iteration_bounds = array<i64: 2, 16>, scalar_prefetch = 0 : i64, scratch_operands = 2 : i64, tpu.core_type = #tpu.core_type<sc_vector_subcore>, window_params = [{transform_indices = #map}, {transform_indices = #map}]} {
    %mul3A = arith.constant 2 : i32
    %mul3A_0 = arith.muli %arg1, %mul3A : i32
    %add3A = arith.addi %mul3A_0, %arg0 : i32
    %lt3A = arith.constant 9 : i32
    %lt3A_1 = arith.cmpi slt, %add3A, %lt3A : i32
    %convert_element_type3A = arith.extui %lt3A_1 : i1 to i32
    %cond3A = arith.constant 0 : i32
    %cond3A_2 = arith.cmpi ne, %convert_element_type3A, %cond3A : i32
    scf.if %cond3A_2 {
      "tpu.region"() ({
        %run_scoped3A = tpu.sem_alloc : memref<!tpu.dma_semaphore, #tpu.memory_space<semaphore_mem>>
        %dma_start3A = arith.constant 0 : i32
        %dma_start3A_932 = tpu.memref_slice %arg2[%add3A, %dma_start3A] : memref<9x1024xf32, #tpu.memory_space<hbm>> -> memref<1x1024xf32, #tpu.memory_space<hbm>>
        %dma_start3A_933 = tpu.memref_squeeze %dma_start3A_932 : memref<1x1024xf32, #tpu.memory_space<hbm>> -> memref<1024xf32, #tpu.memory_space<hbm>>
        %dma_start3A_934 = arith.constant 0 : i32
        %dma_start3A_935 = tpu.memref_slice %arg2[%add3A, %dma_start3A_934] : memref<9x1024xf32, #tpu.memory_space<hbm>> -> memref<1x1024xf32, #tpu.memory_space<hbm>>
        %dma_start3A_936 = tpu.memref_squeeze %dma_start3A_935 : memref<1x1024xf32, #tpu.memory_space<hbm>> -> memref<1024xf32, #tpu.memory_space<hbm>>
        tpu.enqueue_dma source(%dma_start3A_936 : memref<1024xf32, #tpu.memory_space<hbm>>) target(%arg4 : memref<1024xf32, #tpu.memory_space<vmem>>) target_semaphore(%run_scoped3A : memref<!tpu.dma_semaphore, #tpu.memory_space<semaphore_mem>>)
        %dma_wait3A = arith.constant 0 : i32
        %dma_wait3A_937 = tpu.memref_slice %arg2[%add3A, %dma_wait3A] : memref<9x1024xf32, #tpu.memory_space<hbm>> -> memref<1x1024xf32, #tpu.memory_space<hbm>>
        %dma_wait3A_938 = tpu.memref_squeeze %dma_wait3A_937 : memref<1x1024xf32, #tpu.memory_space<hbm>> -> memref<1024xf32, #tpu.memory_space<hbm>>
        %dma_wait3A_939 = arith.constant 0 : i32
        %dma_wait3A_940 = tpu.memref_slice %arg2[%add3A, %dma_wait3A_939] : memref<9x1024xf32, #tpu.memory_space<hbm>> -> memref<1x1024xf32, #tpu.memory_space<hbm>>
        %dma_wait3A_941 = tpu.memref_squeeze %dma_wait3A_940 : memref<1x1024xf32, #tpu.memory_space<hbm>> -> memref<1024xf32, #tpu.memory_space<hbm>>
        tpu.wait_dma2 semaphore(%run_scoped3A : memref<!tpu.dma_semaphore, #tpu.memory_space<semaphore_mem>>) src(%dma_wait3A_941 : memref<1024xf32, #tpu.memory_space<hbm>>) dst(%arg4 : memref<1024xf32, #tpu.memory_space<vmem>>)
        tpu.yield
      }) : () -> ()
      %broadcast_in_dim3A = arith.constant 0.000000e+00 : f32
      %broadcast_in_dim3A_3 = vector.broadcast %broadcast_in_dim3A : f32 to vector<16xf32>
      %get3A = arith.constant 0 : index
      %get3A_4 = tpu.vector_load %arg4[%get3A] {strides = array<i32>} : memref<1024xf32, #tpu.memory_space<vmem>>, vector<16xf32>,
      %get3A_5 = vector.shape_cast %get3A_4 : vector<16xf32> to vector<16xf32>
      %mul3A_6 = arith.mulf %get3A_5, %get3A_5 : vector<16xf32>
      %add3A_7 = arith.addf %broadcast_in_dim3A_3, %mul3A_6 : vector<16xf32>
      %get3A_8 = arith.constant 16 : index
      %get3A_9 = tpu.vector_load %arg4[%get3A_8] {strides = array<i32>} : memref<1024xf32, #tpu.memory_space<vmem>>, vector<16xf32>,
      %get3A_10 = vector.shape_cast %get3A_9 : vector<16xf32> to vector<16xf32>
      %mul3A_11 = arith.mulf %get3A_10, %get3A_10 : vector<16xf32>
      %add3A_12 = arith.addf %add3A_7, %mul3A_11 : vector<16xf32>
      %get3A_13 = arith.constant 32 : index
      %get3A_14 = tpu.vector_load %arg4[%get3A_13] {strides = array<i32>} : memref<1024xf32, #tpu.memory_space<vmem>>, vector<16xf32>,
      %get3A_15 = vector.shape_cast %get3A_14 : vector<16xf32> to vector<16xf32>
      %mul3A_16 = arith.mulf %get3A_15, %get3A_15 : vector<16xf32>
      %add3A_17 = arith.addf %add3A_12, %mul3A_16 : vector<16xf32>
      %get3A_18 = arith.constant 48 : index
      %get3A_19 = tpu.vector_load %arg4[%get3A_18] {strides = array<i32>} : memref<1024xf32, #tpu.memory_space<vmem>>, vector<16xf32>,
      %get3A_20 = vector.shape_cast %get3A_19 : vector<16xf32> to vector<16xf32>
      %mul3A_21 = arith.mulf %get3A_20, %get3A_20 : vector<16xf32>
      %add3A_22 = arith.addf %add3A_17, %mul3A_21 : vector<16xf32>
      %get3A_23 = arith.constant 64 : index
      %get3A_24 = tpu.vector_load %arg4[%get3A_23] {strides = array<i32>} : memref<1024xf32, #tpu.memory_space<vmem>>, vector<16xf32>,
      %get3A_25 = vector.shape_cast %get3A_24 : vector<16xf32> to vector<16xf32>
      %mul3A_26 = arith.mulf %get3A_25, %get3A_25 : vector<16xf32>
      %add3A_27 = arith.addf %add3A_22, %mul3A_26 : vector<16xf32>
      %get3A_28 = arith.constant 80 : index
      %get3A_29 = tpu.vector_load %arg4[%get3A_28] {strides = array<i32>} : memref<1024xf32, #tpu.memory_space<vmem>>, vector<16xf32>,
      %get3A_30 = vector.shape_cast %get3A_29 : vector<16xf32> to vector<16xf32>
      %mul3A_31 = arith.mulf %get3A_30, %get3A_30 : vector<16xf32>
      %add3A_32 = arith.addf %add3A_27, %mul3A_31 : vector<16xf32>
      %get3A_33 = arith.constant 96 : index
      %get3A_34 = tpu.vector_load %arg4[%get3A_33] {strides = array<i32>} : memref<1024xf32, #tpu.memory_space<vmem>>, vector<16xf32>,
      %get3A_35 = vector.shape_cast %get3A_34 : vector<16xf32> to vector<16xf32>
      %mul3A_36 = arith.mulf %get3A_35, %get3A_35 : vector<16xf32>
      %add3A_37 = arith.addf %add3A_32, %mul3A_36 : vector<16xf32>
      %get3A_38 = arith.constant 112 : index
      %get3A_39 = tpu.vector_load %arg4[%get3A_38] {strides = array<i32>} : memref<1024xf32, #tpu.memory_space<vmem>>, vector<16xf32>,
      %get3A_40 = vector.shape_cast %get3A_39 : vector<16xf32> to vector<16xf32>
      %mul3A_41 = arith.mulf %get3A_40, %get3A_40 : vector<16xf32>
      %add3A_42 = arith.addf %add3A_37, %mul3A_41 : vector<16xf32>
      %get3A_43 = arith.constant 128 : index
      %get3A_44 = tpu.vector_load %arg4[%get3A_43] {strides = array<i32>} : memref<1024xf32, #tpu.memory_space<vmem>>, vector<16xf32>,
      %get3A_45 = vector.shape_cast %get3A_44 : vector<16xf32> to vector<16xf32>
      %mul3A_46 = arith.mulf %get3A_45, %get3A_45 : vector<16xf32>
      %add3A_47 = arith.addf %add3A_42, %mul3A_46 : vector<16xf32>
      %get3A_48 = arith.constant 144 : index
      %get3A_49 = tpu.vector_load %arg4[%get3A_48] {strides = array<i32>} : memref<1024xf32, #tpu.memory_space<vmem>>, vector<16xf32>,
      %get3A_50 = vector.shape_cast %get3A_49 : vector<16xf32> to vector<16xf32>
      %mul3A_51 = arith.mulf %get3A_50, %get3A_50 : vector<16xf32>
      %add3A_52 = arith.addf %add3A_47, %mul3A_51 : vector<16xf32>
      %get3A_53 = arith.constant 160 : index
      %get3A_54 = tpu.vector_load %arg4[%get3A_53] {strides = array<i32>} : memref<1024xf32, #tpu.memory_space<vmem>>, vector<16xf32>,
      %get3A_55 = vector.shape_cast %get3A_54 : vector<16xf32> to vector<16xf32>
      %mul3A_56 = arith.mulf %get3A_55, %get3A_55 : vector<16xf32>
      %add3A_57 = arith.addf %add3A_52, %mul3A_56 : vector<16xf32>
      %get3A_58 = arith.constant 176 : index
      %get3A_59 = tpu.vector_load %arg4[%get3A_58] {strides = array<i32>} : memref<1024xf32, #tpu.memory_space<vmem>>, vector<16xf32>,
      %get3A_60 = vector.shape_cast %get3A_59 : vector<16xf32> to vector<16xf32>
      %mul3A_61 = arith.mulf %get3A_60, %get3A_60 : vector<16xf32>
      %add3A_62 = arith.addf %add3A_57, %mul3A_61 : vector<16xf32>
      %get3A_63 = arith.constant 192 : index
      %get3A_64 = tpu.vector_load %arg4[%get3A_63] {strides = array<i32>} : memref<1024xf32, #tpu.memory_space<vmem>>, vector<16xf32>,
      %get3A_65 = vector.shape_cast %get3A_64 : vector<16xf32> to vector<16xf32>
      %mul3A_66 = arith.mulf %get3A_65, %get3A_65 : vector<16xf32>
      %add3A_67 = arith.addf %add3A_62, %mul3A_66 : vector<16xf32>
      %get3A_68 = arith.constant 208 : index
      %get3A_69 = tpu.vector_load %arg4[%get3A_68] {strides = array<i32>} : memref<1024xf32, #tpu.memory_space<vmem>>, vector<16xf32>,
      %get3A_70 = vector.shape_cast %get3A_69 : vector<16xf32> to vector<16xf32>
      %mul3A_71 = arith.mulf %get3A_70, %get3A_70 : vector<16xf32>
      %add3A_72 = arith.addf %add3A_67, %mul3A_71 : vector<16xf32>
      %get3A_73 = arith.constant 224 : index
      %get3A_74 = tpu.vector_load %arg4[%get3A_73] {strides = array<i32>} : memref<1024xf32, #tpu.memory_space<vmem>>, vector<16xf32>,
      %get3A_75 = vector.shape_cast %get3A_74 : vector<16xf32> to vector<16xf32>
      %mul3A_76 = arith.mulf %get3A_75, %get3A_75 : vector<16xf32>
      %add3A_77 = arith.addf %add3A_72, %mul3A_76 : vector<16xf32>
      %get3A_78 = arith.constant 240 : index
      %get3A_79 = tpu.vector_load %arg4[%get3A_78] {strides = array<i32>} : memref<1024xf32, #tpu.memory_space<vmem>>, vector<16xf32>,
      %get3A_80 = vector.shape_cast %get3A_79 : vector<16xf32> to vector<16xf32>
      %mul3A_81 = arith.mulf %get3A_80, %get3A_80 : vector<16xf32>
      %add3A_82 = arith.addf %add3A_77, %mul3A_81 : vector<16xf32>
      %get3A_83 = arith.constant 256 : index
      %get3A_84 = tpu.vector_load %arg4[%get3A_83] {strides = array<i32>} : memref<1024xf32, #tpu.memory_space<vmem>>, vector<16xf32>,
      %get3A_85 = vector.shape_cast %get3A_84 : vector<16xf32> to vector<16xf32>
      %mul3A_86 = arith.mulf %get3A_85, %get3A_85 : vector<16xf32>
      %add3A_87 = arith.addf %add3A_82, %mul3A_86 : vector<16xf32>
      %get3A_88 = arith.constant 272 : index
      %get3A_89 = tpu.vector_load %arg4[%get3A_88] {strides = array<i32>} : memref<1024xf32, #tpu.memory_space<vmem>>, vector<16xf32>,
      %get3A_90 = vector.shape_cast %get3A_89 : vector<16xf32> to vector<16xf32>
      %mul3A_91 = arith.mulf %get3A_90, %get3A_90 : vector<16xf32>
      %add3A_92 = arith.addf %add3A_87, %mul3A_91 : vector<16xf32>
      %get3A_93 = arith.constant 288 : index
      %get3A_94 = tpu.vector_load %arg4[%get3A_93] {strides = array<i32>} : memref<1024xf32, #tpu.memory_space<vmem>>, vector<16xf32>,
      %get3A_95 = vector.shape_cast %get3A_94 : vector<16xf32> to vector<16xf32>
      %mul3A_96 = arith.mulf %get3A_95, %get3A_95 : vector<16xf32>
      %add3A_97 = arith.addf %add3A_92, %mul3A_96 : vector<16xf32>
      %get3A_98 = arith.constant 304 : index
      %get3A_99 = tpu.vector_load %arg4[%get3A_98] {strides = array<i32>} : memref<1024xf32, #tpu.memory_space<vmem>>, vector<16xf32>,
      %get3A_100 = vector.shape_cast %get3A_99 : vector<16xf32> to vector<16xf32>
      %mul3A_101 = arith.mulf %get3A_100, %get3A_100 : vector<16xf32>
      %add3A_102 = arith.addf %add3A_97, %mul3A_101 : vector<16xf32>
      %get3A_103 = arith.constant 320 : index
      %get3A_104 = tpu.vector_load %arg4[%get3A_103] {strides = array<i32>} : memref<1024xf32, #tpu.memory_space<vmem>>, vector<16xf32>,
      %get3A_105 = vector.shape_cast %get3A_104 : vector<16xf32> to vector<16xf32>
      %mul3A_106 = arith.mulf %get3A_105, %get3A_105 : vector<16xf32>
      %add3A_107 = arith.addf %add3A_102, %mul3A_106 : vector<16xf32>
      %get3A_108 = arith.constant 336 : index
      %get3A_109 = tpu.vector_load %arg4[%get3A_108] {strides = array<i32>} : memref<1024xf32, #tpu.memory_space<vmem>>, vector<16xf32>,
      %get3A_110 = vector.shape_cast %get3A_109 : vector<16xf32> to vector<16xf32>
      %mul3A_111 = arith.mulf %get3A_110, %get3A_110 : vector<16xf32>
      %add3A_112 = arith.addf %add3A_107, %mul3A_111 : vector<16xf32>
      %get3A_113 = arith.constant 352 : index
      %get3A_114 = tpu.vector_load %arg4[%get3A_113] {strides = array<i32>} : memref<1024xf32, #tpu.memory_space<vmem>>, vector<16xf32>,
      %get3A_115 = vector.shape_cast %get3A_114 : vector<16xf32> to vector<16xf32>
      %mul3A_116 = arith.mulf %get3A_115, %get3A_115 : vector<16xf32>
      %add3A_117 = arith.addf %add3A_112, %mul3A_116 : vector<16xf32>
      %get3A_118 = arith.constant 368 : index
      %get3A_119 = tpu.vector_load %arg4[%get3A_118] {strides = array<i32>} : memref<1024xf32, #tpu.memory_space<vmem>>, vector<16xf32>,
      %get3A_120 = vector.shape_cast %get3A_119 : vector<16xf32> to vector<16xf32>
      %mul3A_121 = arith.mulf %get3A_120, %get3A_120 : vector<16xf32>
      %add3A_122 = arith.addf %add3A_117, %mul3A_121 : vector<16xf32>
      %get3A_123 = arith.constant 384 : index
      %get3A_124 = tpu.vector_load %arg4[%get3A_123] {strides = array<i32>} : memref<1024xf32, #tpu.memory_space<vmem>>, vector<16xf32>,
      %get3A_125 = vector.shape_cast %get3A_124 : vector<16xf32> to vector<16xf32>
      %mul3A_126 = arith.mulf %get3A_125, %get3A_125 : vector<16xf32>
      %add3A_127 = arith.addf %add3A_122, %mul3A_126 : vector<16xf32>
      %get3A_128 = arith.constant 400 : index
      %get3A_129 = tpu.vector_load %arg4[%get3A_128] {strides = array<i32>} : memref<1024xf32, #tpu.memory_space<vmem>>, vector<16xf32>,
      %get3A_130 = vector.shape_cast %get3A_129 : vector<16xf32> to vector<16xf32>
      %mul3A_131 = arith.mulf %get3A_130, %get3A_130 : vector<16xf32>
      %add3A_132 = arith.addf %add3A_127, %mul3A_131 : vector<16xf32>
      %get3A_133 = arith.constant 416 : index
      %get3A_134 = tpu.vector_load %arg4[%get3A_133] {strides = array<i32>} : memref<1024xf32, #tpu.memory_space<vmem>>, vector<16xf32>,
      %get3A_135 = vector.shape_cast %get3A_134 : vector<16xf32> to vector<16xf32>
      %mul3A_136 = arith.mulf %get3A_135, %get3A_135 : vector<16xf32>
      %add3A_137 = arith.addf %add3A_132, %mul3A_136 : vector<16xf32>
      %get3A_138 = arith.constant 432 : index
      %get3A_139 = tpu.vector_load %arg4[%get3A_138] {strides = array<i32>} : memref<1024xf32, #tpu.memory_space<vmem>>, vector<16xf32>,
      %get3A_140 = vector.shape_cast %get3A_139 : vector<16xf32> to vector<16xf32>
      %mul3A_141 = arith.mulf %get3A_140, %get3A_140 : vector<16xf32>
      %add3A_142 = arith.addf %add3A_137, %mul3A_141 : vector<16xf32>
      %get3A_143 = arith.constant 448 : index
      %get3A_144 = tpu.vector_load %arg4[%get3A_143] {strides = array<i32>} : memref<1024xf32, #tpu.memory_space<vmem>>, vector<16xf32>,
      %get3A_145 = vector.shape_cast %get3A_144 : vector<16xf32> to vector<16xf32>
      %mul3A_146 = arith.mulf %get3A_145, %get3A_145 : vector<16xf32>
      %add3A_147 = arith.addf %add3A_142, %mul3A_146 : vector<16xf32>
      %get3A_148 = arith.constant 464 : index
      %get3A_149 = tpu.vector_load %arg4[%get3A_148] {strides = array<i32>} : memref<1024xf32, #tpu.memory_space<vmem>>, vector<16xf32>,
      %get3A_150 = vector.shape_cast %get3A_149 : vector<16xf32> to vector<16xf32>
      %mul3A_151 = arith.mulf %get3A_150, %get3A_150 : vector<16xf32>
      %add3A_152 = arith.addf %add3A_147, %mul3A_151 : vector<16xf32>
      %get3A_153 = arith.constant 480 : index
      %get3A_154 = tpu.vector_load %arg4[%get3A_153] {strides = array<i32>} : memref<1024xf32, #tpu.memory_space<vmem>>, vector<16xf32>,
      %get3A_155 = vector.shape_cast %get3A_154 : vector<16xf32> to vector<16xf32>
      %mul3A_156 = arith.mulf %get3A_155, %get3A_155 : vector<16xf32>
      %add3A_157 = arith.addf %add3A_152, %mul3A_156 : vector<16xf32>
      %get3A_158 = arith.constant 496 : index
      %get3A_159 = tpu.vector_load %arg4[%get3A_158] {strides = array<i32>} : memref<1024xf32, #tpu.memory_space<vmem>>, vector<16xf32>,
      %get3A_160 = vector.shape_cast %get3A_159 : vector<16xf32> to vector<16xf32>
      %mul3A_161 = arith.mulf %get3A_160, %get3A_160 : vector<16xf32>
      %add3A_162 = arith.addf %add3A_157, %mul3A_161 : vector<16xf32>
      %get3A_163 = arith.constant 512 : index
      %get3A_164 = tpu.vector_load %arg4[%get3A_163] {strides = array<i32>} : memref<1024xf32, #tpu.memory_space<vmem>>, vector<16xf32>,
      %get3A_165 = vector.shape_cast %get3A_164 : vector<16xf32> to vector<16xf32>
      %mul3A_166 = arith.mulf %get3A_165, %get3A_165 : vector<16xf32>
      %add3A_167 = arith.addf %add3A_162, %mul3A_166 : vector<16xf32>
      %get3A_168 = arith.constant 528 : index
      %get3A_169 = tpu.vector_load %arg4[%get3A_168] {strides = array<i32>} : memref<1024xf32, #tpu.memory_space<vmem>>, vector<16xf32>,
      %get3A_170 = vector.shape_cast %get3A_169 : vector<16xf32> to vector<16xf32>
      %mul3A_171 = arith.mulf %get3A_170, %get3A_170 : vector<16xf32>
      %add3A_172 = arith.addf %add3A_167, %mul3A_171 : vector<16xf32>
      %get3A_173 = arith.constant 544 : index
      %get3A_174 = tpu.vector_load %arg4[%get3A_173] {strides = array<i32>} : memref<1024xf32, #tpu.memory_space<vmem>>, vector<16xf32>,
      %get3A_175 = vector.shape_cast %get3A_174 : vector<16xf32> to vector<16xf32>
      %mul3A_176 = arith.mulf %get3A_175, %get3A_175 : vector<16xf32>
      %add3A_177 = arith.addf %add3A_172, %mul3A_176 : vector<16xf32>
      %get3A_178 = arith.constant 560 : index
      %get3A_179 = tpu.vector_load %arg4[%get3A_178] {strides = array<i32>} : memref<1024xf32, #tpu.memory_space<vmem>>, vector<16xf32>,
      %get3A_180 = vector.shape_cast %get3A_179 : vector<16xf32> to vector<16xf32>
      %mul3A_181 = arith.mulf %get3A_180, %get3A_180 : vector<16xf32>
      %add3A_182 = arith.addf %add3A_177, %mul3A_181 : vector<16xf32>
      %get3A_183 = arith.constant 576 : index
      %get3A_184 = tpu.vector_load %arg4[%get3A_183] {strides = array<i32>} : memref<1024xf32, #tpu.memory_space<vmem>>, vector<16xf32>,
      %get3A_185 = vector.shape_cast %get3A_184 : vector<16xf32> to vector<16xf32>
      %mul3A_186 = arith.mulf %get3A_185, %get3A_185 : vector<16xf32>
      %add3A_187 = arith.addf %add3A_182, %mul3A_186 : vector<16xf32>
      %get3A_188 = arith.constant 592 : index
      %get3A_189 = tpu.vector_load %arg4[%get3A_188] {strides = array<i32>} : memref<1024xf32, #tpu.memory_space<vmem>>, vector<16xf32>,
      %get3A_190 = vector.shape_cast %get3A_189 : vector<16xf32> to vector<16xf32>
      %mul3A_191 = arith.mulf %get3A_190, %get3A_190 : vector<16xf32>
      %add3A_192 = arith.addf %add3A_187, %mul3A_191 : vector<16xf32>
      %get3A_193 = arith.constant 608 : index
      %get3A_194 = tpu.vector_load %arg4[%get3A_193] {strides = array<i32>} : memref<1024xf32, #tpu.memory_space<vmem>>, vector<16xf32>,
      %get3A_195 = vector.shape_cast %get3A_194 : vector<16xf32> to vector<16xf32>
      %mul3A_196 = arith.mulf %get3A_195, %get3A_195 : vector<16xf32>
      %add3A_197 = arith.addf %add3A_192, %mul3A_196 : vector<16xf32>
      %get3A_198 = arith.constant 624 : index
      %get3A_199 = tpu.vector_load %arg4[%get3A_198] {strides = array<i32>} : memref<1024xf32, #tpu.memory_space<vmem>>, vector<16xf32>,
      %get3A_200 = vector.shape_cast %get3A_199 : vector<16xf32> to vector<16xf32>
      %mul3A_201 = arith.mulf %get3A_200, %get3A_200 : vector<16xf32>
      %add3A_202 = arith.addf %add3A_197, %mul3A_201 : vector<16xf32>
      %get3A_203 = arith.constant 640 : index
      %get3A_204 = tpu.vector_load %arg4[%get3A_203] {strides = array<i32>} : memref<1024xf32, #tpu.memory_space<vmem>>, vector<16xf32>,
      %get3A_205 = vector.shape_cast %get3A_204 : vector<16xf32> to vector<16xf32>
      %mul3A_206 = arith.mulf %get3A_205, %get3A_205 : vector<16xf32>
      %add3A_207 = arith.addf %add3A_202, %mul3A_206 : vector<16xf32>
      %get3A_208 = arith.constant 656 : index
      %get3A_209 = tpu.vector_load %arg4[%get3A_208] {strides = array<i32>} : memref<1024xf32, #tpu.memory_space<vmem>>, vector<16xf32>,
      %get3A_210 = vector.shape_cast %get3A_209 : vector<16xf32> to vector<16xf32>
      %mul3A_211 = arith.mulf %get3A_210, %get3A_210 : vector<16xf32>
      %add3A_212 = arith.addf %add3A_207, %mul3A_211 : vector<16xf32>
      %get3A_213 = arith.constant 672 : index
      %get3A_214 = tpu.vector_load %arg4[%get3A_213] {strides = array<i32>} : memref<1024xf32, #tpu.memory_space<vmem>>, vector<16xf32>,
      %get3A_215 = vector.shape_cast %get3A_214 : vector<16xf32> to vector<16xf32>
      %mul3A_216 = arith.mulf %get3A_215, %get3A_215 : vector<16xf32>
      %add3A_217 = arith.addf %add3A_212, %mul3A_216 : vector<16xf32>
      %get3A_218 = arith.constant 688 : index
      %get3A_219 = tpu.vector_load %arg4[%get3A_218] {strides = array<i32>} : memref<1024xf32, #tpu.memory_space<vmem>>, vector<16xf32>,
      %get3A_220 = vector.shape_cast %get3A_219 : vector<16xf32> to vector<16xf32>
      %mul3A_221 = arith.mulf %get3A_220, %get3A_220 : vector<16xf32>
      %add3A_222 = arith.addf %add3A_217, %mul3A_221 : vector<16xf32>
      %get3A_223 = arith.constant 704 : index
      %get3A_224 = tpu.vector_load %arg4[%get3A_223] {strides = array<i32>} : memref<1024xf32, #tpu.memory_space<vmem>>, vector<16xf32>,
      %get3A_225 = vector.shape_cast %get3A_224 : vector<16xf32> to vector<16xf32>
      %mul3A_226 = arith.mulf %get3A_225, %get3A_225 : vector<16xf32>
      %add3A_227 = arith.addf %add3A_222, %mul3A_226 : vector<16xf32>
      %get3A_228 = arith.constant 720 : index
      %get3A_229 = tpu.vector_load %arg4[%get3A_228] {strides = array<i32>} : memref<1024xf32, #tpu.memory_space<vmem>>, vector<16xf32>,
      %get3A_230 = vector.shape_cast %get3A_229 : vector<16xf32> to vector<16xf32>
      %mul3A_231 = arith.mulf %get3A_230, %get3A_230 : vector<16xf32>
      %add3A_232 = arith.addf %add3A_227, %mul3A_231 : vector<16xf32>
      %get3A_233 = arith.constant 736 : index
      %get3A_234 = tpu.vector_load %arg4[%get3A_233] {strides = array<i32>} : memref<1024xf32, #tpu.memory_space<vmem>>, vector<16xf32>,
      %get3A_235 = vector.shape_cast %get3A_234 : vector<16xf32> to vector<16xf32>
      %mul3A_236 = arith.mulf %get3A_235, %get3A_235 : vector<16xf32>
      %add3A_237 = arith.addf %add3A_232, %mul3A_236 : vector<16xf32>
      %get3A_238 = arith.constant 752 : index
      %get3A_239 = tpu.vector_load %arg4[%get3A_238] {strides = array<i32>} : memref<1024xf32, #tpu.memory_space<vmem>>, vector<16xf32>,
      %get3A_240 = vector.shape_cast %get3A_239 : vector<16xf32> to vector<16xf32>
      %mul3A_241 = arith.mulf %get3A_240, %get3A_240 : vector<16xf32>
      %add3A_242 = arith.addf %add3A_237, %mul3A_241 : vector<16xf32>
      %get3A_243 = arith.constant 768 : index
      %get3A_244 = tpu.vector_load %arg4[%get3A_243] {strides = array<i32>} : memref<1024xf32, #tpu.memory_space<vmem>>, vector<16xf32>,
      %get3A_245 = vector.shape_cast %get3A_244 : vector<16xf32> to vector<16xf32>
      %mul3A_246 = arith.mulf %get3A_245, %get3A_245 : vector<16xf32>
      %add3A_247 = arith.addf %add3A_242, %mul3A_246 : vector<16xf32>
      %get3A_248 = arith.constant 784 : index
      %get3A_249 = tpu.vector_load %arg4[%get3A_248] {strides = array<i32>} : memref<1024xf32, #tpu.memory_space<vmem>>, vector<16xf32>,
      %get3A_250 = vector.shape_cast %get3A_249 : vector<16xf32> to vector<16xf32>
      %mul3A_251 = arith.mulf %get3A_250, %get3A_250 : vector<16xf32>
      %add3A_252 = arith.addf %add3A_247, %mul3A_251 : vector<16xf32>
      %get3A_253 = arith.constant 800 : index
      %get3A_254 = tpu.vector_load %arg4[%get3A_253] {strides = array<i32>} : memref<1024xf32, #tpu.memory_space<vmem>>, vector<16xf32>,
      %get3A_255 = vector.shape_cast %get3A_254 : vector<16xf32> to vector<16xf32>
      %mul3A_256 = arith.mulf %get3A_255, %get3A_255 : vector<16xf32>
      %add3A_257 = arith.addf %add3A_252, %mul3A_256 : vector<16xf32>
      %get3A_258 = arith.constant 816 : index
      %get3A_259 = tpu.vector_load %arg4[%get3A_258] {strides = array<i32>} : memref<1024xf32, #tpu.memory_space<vmem>>, vector<16xf32>,
      %get3A_260 = vector.shape_cast %get3A_259 : vector<16xf32> to vector<16xf32>
      %mul3A_261 = arith.mulf %get3A_260, %get3A_260 : vector<16xf32>
      %add3A_262 = arith.addf %add3A_257, %mul3A_261 : vector<16xf32>
      %get3A_263 = arith.constant 832 : index
      %get3A_264 = tpu.vector_load %arg4[%get3A_263] {strides = array<i32>} : memref<1024xf32, #tpu.memory_space<vmem>>, vector<16xf32>,
      %get3A_265 = vector.shape_cast %get3A_264 : vector<16xf32> to vector<16xf32>
      %mul3A_266 = arith.mulf %get3A_265, %get3A_265 : vector<16xf32>
      %add3A_267 = arith.addf %add3A_262, %mul3A_266 : vector<16xf32>
      %get3A_268 = arith.constant 848 : index
      %get3A_269 = tpu.vector_load %arg4[%get3A_268] {strides = array<i32>} : memref<1024xf32, #tpu.memory_space<vmem>>, vector<16xf32>,
      %get3A_270 = vector.shape_cast %get3A_269 : vector<16xf32> to vector<16xf32>
      %mul3A_271 = arith.mulf %get3A_270, %get3A_270 : vector<16xf32>
      %add3A_272 = arith.addf %add3A_267, %mul3A_271 : vector<16xf32>
      %get3A_273 = arith.constant 864 : index
      %get3A_274 = tpu.vector_load %arg4[%get3A_273] {strides = array<i32>} : memref<1024xf32, #tpu.memory_space<vmem>>, vector<16xf32>,
      %get3A_275 = vector.shape_cast %get3A_274 : vector<16xf32> to vector<16xf32>
      %mul3A_276 = arith.mulf %get3A_275, %get3A_275 : vector<16xf32>
      %add3A_277 = arith.addf %add3A_272, %mul3A_276 : vector<16xf32>
      %get3A_278 = arith.constant 880 : index
      %get3A_279 = tpu.vector_load %arg4[%get3A_278] {strides = array<i32>} : memref<1024xf32, #tpu.memory_space<vmem>>, vector<16xf32>,
      %get3A_280 = vector.shape_cast %get3A_279 : vector<16xf32> to vector<16xf32>
      %mul3A_281 = arith.mulf %get3A_280, %get3A_280 : vector<16xf32>
      %add3A_282 = arith.addf %add3A_277, %mul3A_281 : vector<16xf32>
      %get3A_283 = arith.constant 896 : index
      %get3A_284 = tpu.vector_load %arg4[%get3A_283] {strides = array<i32>} : memref<1024xf32, #tpu.memory_space<vmem>>, vector<16xf32>,
      %get3A_285 = vector.shape_cast %get3A_284 : vector<16xf32> to vector<16xf32>
      %mul3A_286 = arith.mulf %get3A_285, %get3A_285 : vector<16xf32>
      %add3A_287 = arith.addf %add3A_282, %mul3A_286 : vector<16xf32>
      %get3A_288 = arith.constant 912 : index
      %get3A_289 = tpu.vector_load %arg4[%get3A_288] {strides = array<i32>} : memref<1024xf32, #tpu.memory_space<vmem>>, vector<16xf32>,
      %get3A_290 = vector.shape_cast %get3A_289 : vector<16xf32> to vector<16xf32>
      %mul3A_291 = arith.mulf %get3A_290, %get3A_290 : vector<16xf32>
      %add3A_292 = arith.addf %add3A_287, %mul3A_291 : vector<16xf32>
      %get3A_293 = arith.constant 928 : index
      %get3A_294 = tpu.vector_load %arg4[%get3A_293] {strides = array<i32>} : memref<1024xf32, #tpu.memory_space<vmem>>, vector<16xf32>,
      %get3A_295 = vector.shape_cast %get3A_294 : vector<16xf32> to vector<16xf32>
      %mul3A_296 = arith.mulf %get3A_295, %get3A_295 : vector<16xf32>
      %add3A_297 = arith.addf %add3A_292, %mul3A_296 : vector<16xf32>
      %get3A_298 = arith.constant 944 : index
      %get3A_299 = tpu.vector_load %arg4[%get3A_298] {strides = array<i32>} : memref<1024xf32, #tpu.memory_space<vmem>>, vector<16xf32>,
      %get3A_300 = vector.shape_cast %get3A_299 : vector<16xf32> to vector<16xf32>
      %mul3A_301 = arith.mulf %get3A_300, %get3A_300 : vector<16xf32>
      %add3A_302 = arith.addf %add3A_297, %mul3A_301 : vector<16xf32>
      %get3A_303 = arith.constant 960 : index
      %get3A_304 = tpu.vector_load %arg4[%get3A_303] {strides = array<i32>} : memref<1024xf32, #tpu.memory_space<vmem>>, vector<16xf32>,
      %get3A_305 = vector.shape_cast %get3A_304 : vector<16xf32> to vector<16xf32>
      %mul3A_306 = arith.mulf %get3A_305, %get3A_305 : vector<16xf32>
      %add3A_307 = arith.addf %add3A_302, %mul3A_306 : vector<16xf32>
      %get3A_308 = arith.constant 976 : index
      %get3A_309 = tpu.vector_load %arg4[%get3A_308] {strides = array<i32>} : memref<1024xf32, #tpu.memory_space<vmem>>, vector<16xf32>,
      %get3A_310 = vector.shape_cast %get3A_309 : vector<16xf32> to vector<16xf32>
      %mul3A_311 = arith.mulf %get3A_310, %get3A_310 : vector<16xf32>
      %add3A_312 = arith.addf %add3A_307, %mul3A_311 : vector<16xf32>
      %get3A_313 = arith.constant 992 : index
      %get3A_314 = tpu.vector_load %arg4[%get3A_313] {strides = array<i32>} : memref<1024xf32, #tpu.memory_space<vmem>>, vector<16xf32>,
      %get3A_315 = vector.shape_cast %get3A_314 : vector<16xf32> to vector<16xf32>
      %mul3A_316 = arith.mulf %get3A_315, %get3A_315 : vector<16xf32>
      %add3A_317 = arith.addf %add3A_312, %mul3A_316 : vector<16xf32>
      %get3A_318 = arith.constant 1008 : index
      %get3A_319 = tpu.vector_load %arg4[%get3A_318] {strides = array<i32>} : memref<1024xf32, #tpu.memory_space<vmem>>, vector<16xf32>,
      %get3A_320 = vector.shape_cast %get3A_319 : vector<16xf32> to vector<16xf32>
      %mul3A_321 = arith.mulf %get3A_320, %get3A_320 : vector<16xf32>
      %add3A_322 = arith.addf %add3A_317, %mul3A_321 : vector<16xf32>
      %slice3A = vector.extract_strided_slice %add3A_322 {offsets = [0], sizes = [1], strides = [1]} : vector<16xf32> to vector<1xf32>
      %squeeze3A = vector.extract %slice3A[0] : f32 from vector<1xf32>
      %slice3A_323 = vector.extract_strided_slice %add3A_322 {offsets = [1], sizes = [1], strides = [1]} : vector<16xf32> to vector<1xf32>
      %squeeze3A_324 = vector.extract %slice3A_323[0] : f32 from vector<1xf32>
      %add3A_325 = arith.addf %squeeze3A, %squeeze3A_324 : f32
      %slice3A_326 = vector.extract_strided_slice %add3A_322 {offsets = [2], sizes = [1], strides = [1]} : vector<16xf32> to vector<1xf32>
      %squeeze3A_327 = vector.extract %slice3A_326[0] : f32 from vector<1xf32>
      %add3A_328 = arith.addf %add3A_325, %squeeze3A_327 : f32
      %slice3A_329 = vector.extract_strided_slice %add3A_322 {offsets = [3], sizes = [1], strides = [1]} : vector<16xf32> to vector<1xf32>
      %squeeze3A_330 = vector.extract %slice3A_329[0] : f32 from vector<1xf32>
      %add3A_331 = arith.addf %add3A_328, %squeeze3A_330 : f32
      %slice3A_332 = vector.extract_strided_slice %add3A_322 {offsets = [4], sizes = [1], strides = [1]} : vector<16xf32> to vector<1xf32>
      %squeeze3A_333 = vector.extract %slice3A_332[0] : f32 from vector<1xf32>
      %add3A_334 = arith.addf %add3A_331, %squeeze3A_333 : f32
      %slice3A_335 = vector.extract_strided_slice %add3A_322 {offsets = [5], sizes = [1], strides = [1]} : vector<16xf32> to vector<1xf32>
      %squeeze3A_336 = vector.extract %slice3A_335[0] : f32 from vector<1xf32>
      %add3A_337 = arith.addf %add3A_334, %squeeze3A_336 : f32
      %slice3A_338 = vector.extract_strided_slice %add3A_322 {offsets = [6], sizes = [1], strides = [1]} : vector<16xf32> to vector<1xf32>
      %squeeze3A_339 = vector.extract %slice3A_338[0] : f32 from vector<1xf32>
      %add3A_340 = arith.addf %add3A_337, %squeeze3A_339 : f32
      %slice3A_341 = vector.extract_strided_slice %add3A_322 {offsets = [7], sizes = [1], strides = [1]} : vector<16xf32> to vector<1xf32>
      %squeeze3A_342 = vector.extract %slice3A_341[0] : f32 from vector<1xf32>
      %add3A_343 = arith.addf %add3A_340, %squeeze3A_342 : f32
      %slice3A_344 = vector.extract_strided_slice %add3A_322 {offsets = [8], sizes = [1], strides = [1]} : vector<16xf32> to vector<1xf32>
      %squeeze3A_345 = vector.extract %slice3A_344[0] : f32 from vector<1xf32>
      %add3A_346 = arith.addf %add3A_343, %squeeze3A_345 : f32
      %slice3A_347 = vector.extract_strided_slice %add3A_322 {offsets = [9], sizes = [1], strides = [1]} : vector<16xf32> to vector<1xf32>
      %squeeze3A_348 = vector.extract %slice3A_347[0] : f32 from vector<1xf32>
      %add3A_349 = arith.addf %add3A_346, %squeeze3A_348 : f32
      %slice3A_350 = vector.extract_strided_slice %add3A_322 {offsets = [10], sizes = [1], strides = [1]} : vector<16xf32> to vector<1xf32>
      %squeeze3A_351 = vector.extract %slice3A_350[0] : f32 from vector<1xf32>
      %add3A_352 = arith.addf %add3A_349, %squeeze3A_351 : f32
      %slice3A_353 = vector.extract_strided_slice %add3A_322 {offsets = [11], sizes = [1], strides = [1]} : vector<16xf32> to vector<1xf32>
      %squeeze3A_354 = vector.extract %slice3A_353[0] : f32 from vector<1xf32>
      %add3A_355 = arith.addf %add3A_352, %squeeze3A_354 : f32
      %slice3A_356 = vector.extract_strided_slice %add3A_322 {offsets = [12], sizes = [1], strides = [1]} : vector<16xf32> to vector<1xf32>
      %squeeze3A_357 = vector.extract %slice3A_356[0] : f32 from vector<1xf32>
      %add3A_358 = arith.addf %add3A_355, %squeeze3A_357 : f32
      %slice3A_359 = vector.extract_strided_slice %add3A_322 {offsets = [13], sizes = [1], strides = [1]} : vector<16xf32> to vector<1xf32>
      %squeeze3A_360 = vector.extract %slice3A_359[0] : f32 from vector<1xf32>
      %add3A_361 = arith.addf %add3A_358, %squeeze3A_360 : f32
      %slice3A_362 = vector.extract_strided_slice %add3A_322 {offsets = [14], sizes = [1], strides = [1]} : vector<16xf32> to vector<1xf32>
      %squeeze3A_363 = vector.extract %slice3A_362[0] : f32 from vector<1xf32>
      %add3A_364 = arith.addf %add3A_361, %squeeze3A_363 : f32
      %slice3A_365 = vector.extract_strided_slice %add3A_322 {offsets = [15], sizes = [1], strides = [1]} : vector<16xf32> to vector<1xf32>
      %squeeze3A_366 = vector.extract %slice3A_365[0] : f32 from vector<1xf32>
      %add3A_367 = arith.addf %add3A_364, %squeeze3A_366 : f32
      %broadcast_in_dim3A_368 = vector.broadcast %add3A_367 : f32 to vector<16xf32>
      %bitcast_convert_type3A = tpu.bitcast %broadcast_in_dim3A_368 : vector<16xf32> -> vector<16xi32>
      %shift_right_arithmetic3A = arith.constant 1 : i32
      %shift_right_arithmetic3A_369 = vector.broadcast %shift_right_arithmetic3A : i32 to vector<16xi32>
      %shift_right_arithmetic3A_370 = arith.shrsi %bitcast_convert_type3A, %shift_right_arithmetic3A_369 : vector<16xi32>
      %sub3A = arith.constant 1597463007 : i32
      %sub3A_371 = vector.broadcast %sub3A : i32 to vector<16xi32>
      %sub3A_372 = arith.subi %sub3A_371, %shift_right_arithmetic3A_370 : vector<16xi32>
      %bitcast_convert_type3A_373 = tpu.bitcast %sub3A_372 : vector<16xi32> -> vector<16xf32>
      %mul3A_374 = arith.constant 5.000000e-01 : f32
      %mul3A_375 = vector.broadcast %mul3A_374 : f32 to vector<16xf32>
      %mul3A_376 = arith.mulf %mul3A_375, %broadcast_in_dim3A_368 : vector<16xf32>
      %mul3A_377 = arith.mulf %mul3A_376, %bitcast_convert_type3A_373 : vector<16xf32>
      %mul3A_378 = arith.mulf %mul3A_377, %bitcast_convert_type3A_373 : vector<16xf32>
      %sub3A_379 = arith.constant 1.500000e+00 : f32
      %sub3A_380 = vector.broadcast %sub3A_379 : f32 to vector<16xf32>
      %sub3A_381 = arith.subf %sub3A_380, %mul3A_378 : vector<16xf32>
      %mul3A_382 = arith.mulf %bitcast_convert_type3A_373, %sub3A_381 : vector<16xf32>
      %mul3A_383 = arith.constant 5.000000e-01 : f32
      %mul3A_384 = vector.broadcast %mul3A_383 : f32 to vector<16xf32>
      %mul3A_385 = arith.mulf %mul3A_384, %broadcast_in_dim3A_368 : vector<16xf32>
      %mul3A_386 = arith.mulf %mul3A_385, %mul3A_382 : vector<16xf32>
      %mul3A_387 = arith.mulf %mul3A_386, %mul3A_382 : vector<16xf32>
      %sub3A_388 = arith.constant 1.500000e+00 : f32
      %sub3A_389 = vector.broadcast %sub3A_388 : f32 to vector<16xf32>
      %sub3A_390 = arith.subf %sub3A_389, %mul3A_387 : vector<16xf32>
      %mul3A_391 = arith.mulf %mul3A_382, %sub3A_390 : vector<16xf32>
      %mul3A_392 = arith.constant 5.000000e-01 : f32
      %mul3A_393 = vector.broadcast %mul3A_392 : f32 to vector<16xf32>
      %mul3A_394 = arith.mulf %mul3A_393, %broadcast_in_dim3A_368 : vector<16xf32>
      %mul3A_395 = arith.mulf %mul3A_394, %mul3A_391 : vector<16xf32>
      %mul3A_396 = arith.mulf %mul3A_395, %mul3A_391 : vector<16xf32>
      %sub3A_397 = arith.constant 1.500000e+00 : f32
      %sub3A_398 = vector.broadcast %sub3A_397 : f32 to vector<16xf32>
      %sub3A_399 = arith.subf %sub3A_398, %mul3A_396 : vector<16xf32>
      %mul3A_400 = arith.mulf %mul3A_391, %sub3A_399 : vector<16xf32>
      %mul3A_401 = arith.constant 5.000000e-01 : f32
      %mul3A_402 = vector.broadcast %mul3A_401 : f32 to vector<16xf32>
      %mul3A_403 = arith.mulf %mul3A_402, %broadcast_in_dim3A_368 : vector<16xf32>
      %mul3A_404 = arith.mulf %mul3A_403, %mul3A_400 : vector<16xf32>
      %mul3A_405 = arith.mulf %mul3A_404, %mul3A_400 : vector<16xf32>
      %sub3A_406 = arith.constant 1.500000e+00 : f32
      %sub3A_407 = vector.broadcast %sub3A_406 : f32 to vector<16xf32>
      %sub3A_408 = arith.subf %sub3A_407, %mul3A_405 : vector<16xf32>
      %mul3A_409 = arith.mulf %mul3A_400, %sub3A_408 : vector<16xf32>
      %mul3A_410 = arith.mulf %broadcast_in_dim3A_368, %mul3A_409 : vector<16xf32>
      %gt3A = arith.constant 1.000000e+00 : f32
      %gt3A_411 = vector.broadcast %gt3A : f32 to vector<16xf32>
      %gt3A_412 = arith.cmpf ogt, %mul3A_410, %gt3A_411 : vector<16xf32>
      %mul3A_413 = arith.constant 1.000000e-07 : f32
      %mul3A_414 = vector.broadcast %mul3A_413 : f32 to vector<16xf32>
      %mul3A_415 = arith.mulf %mul3A_414, %mul3A_409 : vector<16xf32>
      %sub3A_416 = arith.constant 1.000000e+00 : f32
      %sub3A_417 = vector.broadcast %sub3A_416 : f32 to vector<16xf32>
      %sub3A_418 = arith.subf %sub3A_417, %mul3A_415 : vector<16xf32>
      %mul3A_419 = arith.mulf %mul3A_409, %sub3A_418 : vector<16xf32>
      %jit3A = arith.constant 1.000000e+00 : f32
      %broadcast_in_dim3A_420 = vector.broadcast %jit3A : f32 to vector<16xf32>
      %select_n3A = arith.select %gt3A_412, %mul3A_419, %broadcast_in_dim3A_420 : vector<16xi1>, vector<16xf32>
      %get3A_421 = arith.constant 0 : index
      %get3A_422 = tpu.vector_load %arg4[%get3A_421] {strides = array<i32>} : memref<1024xf32, #tpu.memory_space<vmem>>, vector<16xf32>,
      %get3A_423 = vector.shape_cast %get3A_422 : vector<16xf32> to vector<16xf32>
      %mul3A_424 = arith.mulf %get3A_423, %select_n3A : vector<16xf32>
      %swap3A = arith.constant 0 : index
      %swap3A_425 = tpu.vector_load %arg4[%swap3A] {strides = array<i32>} : memref<1024xf32, #tpu.memory_space<vmem>>, vector<16xf32>,
      %swap3A_426 = vector.shape_cast %swap3A_425 : vector<16xf32> to vector<16xf32>
      %swap3A_427 = vector.shape_cast %mul3A_424 : vector<16xf32> to vector<16xf32>
      tpu.vector_store %arg4[%swap3A], %swap3A_427 {strides = array<i32>} : memref<1024xf32, #tpu.memory_space<vmem>>, vector<16xf32>,
      %get3A_428 = arith.constant 16 : index
      %get3A_429 = tpu.vector_load %arg4[%get3A_428] {strides = array<i32>} : memref<1024xf32, #tpu.memory_space<vmem>>, vector<16xf32>,
      %get3A_430 = vector.shape_cast %get3A_429 : vector<16xf32> to vector<16xf32>
      %mul3A_431 = arith.mulf %get3A_430, %select_n3A : vector<16xf32>
      %swap3A_432 = arith.constant 16 : index
      %swap3A_433 = tpu.vector_load %arg4[%swap3A_432] {strides = array<i32>} : memref<1024xf32, #tpu.memory_space<vmem>>, vector<16xf32>,
      %swap3A_434 = vector.shape_cast %swap3A_433 : vector<16xf32> to vector<16xf32>
      %swap3A_435 = vector.shape_cast %mul3A_431 : vector<16xf32> to vector<16xf32>
      tpu.vector_store %arg4[%swap3A_432], %swap3A_435 {strides = array<i32>} : memref<1024xf32, #tpu.memory_space<vmem>>, vector<16xf32>,
      %get3A_436 = arith.constant 32 : index
      %get3A_437 = tpu.vector_load %arg4[%get3A_436] {strides = array<i32>} : memref<1024xf32, #tpu.memory_space<vmem>>, vector<16xf32>,
      %get3A_438 = vector.shape_cast %get3A_437 : vector<16xf32> to vector<16xf32>
      %mul3A_439 = arith.mulf %get3A_438, %select_n3A : vector<16xf32>
      %swap3A_440 = arith.constant 32 : index
      %swap3A_441 = tpu.vector_load %arg4[%swap3A_440] {strides = array<i32>} : memref<1024xf32, #tpu.memory_space<vmem>>, vector<16xf32>,
      %swap3A_442 = vector.shape_cast %swap3A_441 : vector<16xf32> to vector<16xf32>
      %swap3A_443 = vector.shape_cast %mul3A_439 : vector<16xf32> to vector<16xf32>
      tpu.vector_store %arg4[%swap3A_440], %swap3A_443 {strides = array<i32>} : memref<1024xf32, #tpu.memory_space<vmem>>, vector<16xf32>,
      %get3A_444 = arith.constant 48 : index
      %get3A_445 = tpu.vector_load %arg4[%get3A_444] {strides = array<i32>} : memref<1024xf32, #tpu.memory_space<vmem>>, vector<16xf32>,
      %get3A_446 = vector.shape_cast %get3A_445 : vector<16xf32> to vector<16xf32>
      %mul3A_447 = arith.mulf %get3A_446, %select_n3A : vector<16xf32>
      %swap3A_448 = arith.constant 48 : index
      %swap3A_449 = tpu.vector_load %arg4[%swap3A_448] {strides = array<i32>} : memref<1024xf32, #tpu.memory_space<vmem>>, vector<16xf32>,
      %swap3A_450 = vector.shape_cast %swap3A_449 : vector<16xf32> to vector<16xf32>
      %swap3A_451 = vector.shape_cast %mul3A_447 : vector<16xf32> to vector<16xf32>
      tpu.vector_store %arg4[%swap3A_448], %swap3A_451 {strides = array<i32>} : memref<1024xf32, #tpu.memory_space<vmem>>, vector<16xf32>,
      %get3A_452 = arith.constant 64 : index
      %get3A_453 = tpu.vector_load %arg4[%get3A_452] {strides = array<i32>} : memref<1024xf32, #tpu.memory_space<vmem>>, vector<16xf32>,
      %get3A_454 = vector.shape_cast %get3A_453 : vector<16xf32> to vector<16xf32>
      %mul3A_455 = arith.mulf %get3A_454, %select_n3A : vector<16xf32>
      %swap3A_456 = arith.constant 64 : index
      %swap3A_457 = tpu.vector_load %arg4[%swap3A_456] {strides = array<i32>} : memref<1024xf32, #tpu.memory_space<vmem>>, vector<16xf32>,
      %swap3A_458 = vector.shape_cast %swap3A_457 : vector<16xf32> to vector<16xf32>
      %swap3A_459 = vector.shape_cast %mul3A_455 : vector<16xf32> to vector<16xf32>
      tpu.vector_store %arg4[%swap3A_456], %swap3A_459 {strides = array<i32>} : memref<1024xf32, #tpu.memory_space<vmem>>, vector<16xf32>,
      %get3A_460 = arith.constant 80 : index
      %get3A_461 = tpu.vector_load %arg4[%get3A_460] {strides = array<i32>} : memref<1024xf32, #tpu.memory_space<vmem>>, vector<16xf32>,
      %get3A_462 = vector.shape_cast %get3A_461 : vector<16xf32> to vector<16xf32>
      %mul3A_463 = arith.mulf %get3A_462, %select_n3A : vector<16xf32>
      %swap3A_464 = arith.constant 80 : index
      %swap3A_465 = tpu.vector_load %arg4[%swap3A_464] {strides = array<i32>} : memref<1024xf32, #tpu.memory_space<vmem>>, vector<16xf32>,
      %swap3A_466 = vector.shape_cast %swap3A_465 : vector<16xf32> to vector<16xf32>
      %swap3A_467 = vector.shape_cast %mul3A_463 : vector<16xf32> to vector<16xf32>
      tpu.vector_store %arg4[%swap3A_464], %swap3A_467 {strides = array<i32>} : memref<1024xf32, #tpu.memory_space<vmem>>, vector<16xf32>,
      %get3A_468 = arith.constant 96 : index
      %get3A_469 = tpu.vector_load %arg4[%get3A_468] {strides = array<i32>} : memref<1024xf32, #tpu.memory_space<vmem>>, vector<16xf32>,
      %get3A_470 = vector.shape_cast %get3A_469 : vector<16xf32> to vector<16xf32>
      %mul3A_471 = arith.mulf %get3A_470, %select_n3A : vector<16xf32>
      %swap3A_472 = arith.constant 96 : index
      %swap3A_473 = tpu.vector_load %arg4[%swap3A_472] {strides = array<i32>} : memref<1024xf32, #tpu.memory_space<vmem>>, vector<16xf32>,
      %swap3A_474 = vector.shape_cast %swap3A_473 : vector<16xf32> to vector<16xf32>
      %swap3A_475 = vector.shape_cast %mul3A_471 : vector<16xf32> to vector<16xf32>
      tpu.vector_store %arg4[%swap3A_472], %swap3A_475 {strides = array<i32>} : memref<1024xf32, #tpu.memory_space<vmem>>, vector<16xf32>,
      %get3A_476 = arith.constant 112 : index
      %get3A_477 = tpu.vector_load %arg4[%get3A_476] {strides = array<i32>} : memref<1024xf32, #tpu.memory_space<vmem>>, vector<16xf32>,
      %get3A_478 = vector.shape_cast %get3A_477 : vector<16xf32> to vector<16xf32>
      %mul3A_479 = arith.mulf %get3A_478, %select_n3A : vector<16xf32>
      %swap3A_480 = arith.constant 112 : index
      %swap3A_481 = tpu.vector_load %arg4[%swap3A_480] {strides = array<i32>} : memref<1024xf32, #tpu.memory_space<vmem>>, vector<16xf32>,
      %swap3A_482 = vector.shape_cast %swap3A_481 : vector<16xf32> to vector<16xf32>
      %swap3A_483 = vector.shape_cast %mul3A_479 : vector<16xf32> to vector<16xf32>
      tpu.vector_store %arg4[%swap3A_480], %swap3A_483 {strides = array<i32>} : memref<1024xf32, #tpu.memory_space<vmem>>, vector<16xf32>,
      %get3A_484 = arith.constant 128 : index
      %get3A_485 = tpu.vector_load %arg4[%get3A_484] {strides = array<i32>} : memref<1024xf32, #tpu.memory_space<vmem>>, vector<16xf32>,
      %get3A_486 = vector.shape_cast %get3A_485 : vector<16xf32> to vector<16xf32>
      %mul3A_487 = arith.mulf %get3A_486, %select_n3A : vector<16xf32>
      %swap3A_488 = arith.constant 128 : index
      %swap3A_489 = tpu.vector_load %arg4[%swap3A_488] {strides = array<i32>} : memref<1024xf32, #tpu.memory_space<vmem>>, vector<16xf32>,
      %swap3A_490 = vector.shape_cast %swap3A_489 : vector<16xf32> to vector<16xf32>
      %swap3A_491 = vector.shape_cast %mul3A_487 : vector<16xf32> to vector<16xf32>
      tpu.vector_store %arg4[%swap3A_488], %swap3A_491 {strides = array<i32>} : memref<1024xf32, #tpu.memory_space<vmem>>, vector<16xf32>,
      %get3A_492 = arith.constant 144 : index
      %get3A_493 = tpu.vector_load %arg4[%get3A_492] {strides = array<i32>} : memref<1024xf32, #tpu.memory_space<vmem>>, vector<16xf32>,
      %get3A_494 = vector.shape_cast %get3A_493 : vector<16xf32> to vector<16xf32>
      %mul3A_495 = arith.mulf %get3A_494, %select_n3A : vector<16xf32>
      %swap3A_496 = arith.constant 144 : index
      %swap3A_497 = tpu.vector_load %arg4[%swap3A_496] {strides = array<i32>} : memref<1024xf32, #tpu.memory_space<vmem>>, vector<16xf32>,
      %swap3A_498 = vector.shape_cast %swap3A_497 : vector<16xf32> to vector<16xf32>
      %swap3A_499 = vector.shape_cast %mul3A_495 : vector<16xf32> to vector<16xf32>
      tpu.vector_store %arg4[%swap3A_496], %swap3A_499 {strides = array<i32>} : memref<1024xf32, #tpu.memory_space<vmem>>, vector<16xf32>,
      %get3A_500 = arith.constant 160 : index
      %get3A_501 = tpu.vector_load %arg4[%get3A_500] {strides = array<i32>} : memref<1024xf32, #tpu.memory_space<vmem>>, vector<16xf32>,
      %get3A_502 = vector.shape_cast %get3A_501 : vector<16xf32> to vector<16xf32>
      %mul3A_503 = arith.mulf %get3A_502, %select_n3A : vector<16xf32>
      %swap3A_504 = arith.constant 160 : index
      %swap3A_505 = tpu.vector_load %arg4[%swap3A_504] {strides = array<i32>} : memref<1024xf32, #tpu.memory_space<vmem>>, vector<16xf32>,
      %swap3A_506 = vector.shape_cast %swap3A_505 : vector<16xf32> to vector<16xf32>
      %swap3A_507 = vector.shape_cast %mul3A_503 : vector<16xf32> to vector<16xf32>
      tpu.vector_store %arg4[%swap3A_504], %swap3A_507 {strides = array<i32>} : memref<1024xf32, #tpu.memory_space<vmem>>, vector<16xf32>,
      %get3A_508 = arith.constant 176 : index
      %get3A_509 = tpu.vector_load %arg4[%get3A_508] {strides = array<i32>} : memref<1024xf32, #tpu.memory_space<vmem>>, vector<16xf32>,
      %get3A_510 = vector.shape_cast %get3A_509 : vector<16xf32> to vector<16xf32>
      %mul3A_511 = arith.mulf %get3A_510, %select_n3A : vector<16xf32>
      %swap3A_512 = arith.constant 176 : index
      %swap3A_513 = tpu.vector_load %arg4[%swap3A_512] {strides = array<i32>} : memref<1024xf32, #tpu.memory_space<vmem>>, vector<16xf32>,
      %swap3A_514 = vector.shape_cast %swap3A_513 : vector<16xf32> to vector<16xf32>
      %swap3A_515 = vector.shape_cast %mul3A_511 : vector<16xf32> to vector<16xf32>
      tpu.vector_store %arg4[%swap3A_512], %swap3A_515 {strides = array<i32>} : memref<1024xf32, #tpu.memory_space<vmem>>, vector<16xf32>,
      %get3A_516 = arith.constant 192 : index
      %get3A_517 = tpu.vector_load %arg4[%get3A_516] {strides = array<i32>} : memref<1024xf32, #tpu.memory_space<vmem>>, vector<16xf32>,
      %get3A_518 = vector.shape_cast %get3A_517 : vector<16xf32> to vector<16xf32>
      %mul3A_519 = arith.mulf %get3A_518, %select_n3A : vector<16xf32>
      %swap3A_520 = arith.constant 192 : index
      %swap3A_521 = tpu.vector_load %arg4[%swap3A_520] {strides = array<i32>} : memref<1024xf32, #tpu.memory_space<vmem>>, vector<16xf32>,
      %swap3A_522 = vector.shape_cast %swap3A_521 : vector<16xf32> to vector<16xf32>
      %swap3A_523 = vector.shape_cast %mul3A_519 : vector<16xf32> to vector<16xf32>
      tpu.vector_store %arg4[%swap3A_520], %swap3A_523 {strides = array<i32>} : memref<1024xf32, #tpu.memory_space<vmem>>, vector<16xf32>,
      %get3A_524 = arith.constant 208 : index
      %get3A_525 = tpu.vector_load %arg4[%get3A_524] {strides = array<i32>} : memref<1024xf32, #tpu.memory_space<vmem>>, vector<16xf32>,
      %get3A_526 = vector.shape_cast %get3A_525 : vector<16xf32> to vector<16xf32>
      %mul3A_527 = arith.mulf %get3A_526, %select_n3A : vector<16xf32>
      %swap3A_528 = arith.constant 208 : index
      %swap3A_529 = tpu.vector_load %arg4[%swap3A_528] {strides = array<i32>} : memref<1024xf32, #tpu.memory_space<vmem>>, vector<16xf32>,
      %swap3A_530 = vector.shape_cast %swap3A_529 : vector<16xf32> to vector<16xf32>
      %swap3A_531 = vector.shape_cast %mul3A_527 : vector<16xf32> to vector<16xf32>
      tpu.vector_store %arg4[%swap3A_528], %swap3A_531 {strides = array<i32>} : memref<1024xf32, #tpu.memory_space<vmem>>, vector<16xf32>,
      %get3A_532 = arith.constant 224 : index
      %get3A_533 = tpu.vector_load %arg4[%get3A_532] {strides = array<i32>} : memref<1024xf32, #tpu.memory_space<vmem>>, vector<16xf32>,
      %get3A_534 = vector.shape_cast %get3A_533 : vector<16xf32> to vector<16xf32>
      %mul3A_535 = arith.mulf %get3A_534, %select_n3A : vector<16xf32>
      %swap3A_536 = arith.constant 224 : index
      %swap3A_537 = tpu.vector_load %arg4[%swap3A_536] {strides = array<i32>} : memref<1024xf32, #tpu.memory_space<vmem>>, vector<16xf32>,
      %swap3A_538 = vector.shape_cast %swap3A_537 : vector<16xf32> to vector<16xf32>
      %swap3A_539 = vector.shape_cast %mul3A_535 : vector<16xf32> to vector<16xf32>
      tpu.vector_store %arg4[%swap3A_536], %swap3A_539 {strides = array<i32>} : memref<1024xf32, #tpu.memory_space<vmem>>, vector<16xf32>,
      %get3A_540 = arith.constant 240 : index
      %get3A_541 = tpu.vector_load %arg4[%get3A_540] {strides = array<i32>} : memref<1024xf32, #tpu.memory_space<vmem>>, vector<16xf32>,
      %get3A_542 = vector.shape_cast %get3A_541 : vector<16xf32> to vector<16xf32>
      %mul3A_543 = arith.mulf %get3A_542, %select_n3A : vector<16xf32>
      %swap3A_544 = arith.constant 240 : index
      %swap3A_545 = tpu.vector_load %arg4[%swap3A_544] {strides = array<i32>} : memref<1024xf32, #tpu.memory_space<vmem>>, vector<16xf32>,
      %swap3A_546 = vector.shape_cast %swap3A_545 : vector<16xf32> to vector<16xf32>
      %swap3A_547 = vector.shape_cast %mul3A_543 : vector<16xf32> to vector<16xf32>
      tpu.vector_store %arg4[%swap3A_544], %swap3A_547 {strides = array<i32>} : memref<1024xf32, #tpu.memory_space<vmem>>, vector<16xf32>,
      %get3A_548 = arith.constant 256 : index
      %get3A_549 = tpu.vector_load %arg4[%get3A_548] {strides = array<i32>} : memref<1024xf32, #tpu.memory_space<vmem>>, vector<16xf32>,
      %get3A_550 = vector.shape_cast %get3A_549 : vector<16xf32> to vector<16xf32>
      %mul3A_551 = arith.mulf %get3A_550, %select_n3A : vector<16xf32>
      %swap3A_552 = arith.constant 256 : index
      %swap3A_553 = tpu.vector_load %arg4[%swap3A_552] {strides = array<i32>} : memref<1024xf32, #tpu.memory_space<vmem>>, vector<16xf32>,
      %swap3A_554 = vector.shape_cast %swap3A_553 : vector<16xf32> to vector<16xf32>
      %swap3A_555 = vector.shape_cast %mul3A_551 : vector<16xf32> to vector<16xf32>
      tpu.vector_store %arg4[%swap3A_552], %swap3A_555 {strides = array<i32>} : memref<1024xf32, #tpu.memory_space<vmem>>, vector<16xf32>,
      %get3A_556 = arith.constant 272 : index
      %get3A_557 = tpu.vector_load %arg4[%get3A_556] {strides = array<i32>} : memref<1024xf32, #tpu.memory_space<vmem>>, vector<16xf32>,
      %get3A_558 = vector.shape_cast %get3A_557 : vector<16xf32> to vector<16xf32>
      %mul3A_559 = arith.mulf %get3A_558, %select_n3A : vector<16xf32>
      %swap3A_560 = arith.constant 272 : index
      %swap3A_561 = tpu.vector_load %arg4[%swap3A_560] {strides = array<i32>} : memref<1024xf32, #tpu.memory_space<vmem>>, vector<16xf32>,
      %swap3A_562 = vector.shape_cast %swap3A_561 : vector<16xf32> to vector<16xf32>
      %swap3A_563 = vector.shape_cast %mul3A_559 : vector<16xf32> to vector<16xf32>
      tpu.vector_store %arg4[%swap3A_560], %swap3A_563 {strides = array<i32>} : memref<1024xf32, #tpu.memory_space<vmem>>, vector<16xf32>,
      %get3A_564 = arith.constant 288 : index
      %get3A_565 = tpu.vector_load %arg4[%get3A_564] {strides = array<i32>} : memref<1024xf32, #tpu.memory_space<vmem>>, vector<16xf32>,
      %get3A_566 = vector.shape_cast %get3A_565 : vector<16xf32> to vector<16xf32>
      %mul3A_567 = arith.mulf %get3A_566, %select_n3A : vector<16xf32>
      %swap3A_568 = arith.constant 288 : index
      %swap3A_569 = tpu.vector_load %arg4[%swap3A_568] {strides = array<i32>} : memref<1024xf32, #tpu.memory_space<vmem>>, vector<16xf32>,
      %swap3A_570 = vector.shape_cast %swap3A_569 : vector<16xf32> to vector<16xf32>
      %swap3A_571 = vector.shape_cast %mul3A_567 : vector<16xf32> to vector<16xf32>
      tpu.vector_store %arg4[%swap3A_568], %swap3A_571 {strides = array<i32>} : memref<1024xf32, #tpu.memory_space<vmem>>, vector<16xf32>,
      %get3A_572 = arith.constant 304 : index
      %get3A_573 = tpu.vector_load %arg4[%get3A_572] {strides = array<i32>} : memref<1024xf32, #tpu.memory_space<vmem>>, vector<16xf32>,
      %get3A_574 = vector.shape_cast %get3A_573 : vector<16xf32> to vector<16xf32>
      %mul3A_575 = arith.mulf %get3A_574, %select_n3A : vector<16xf32>
      %swap3A_576 = arith.constant 304 : index
      %swap3A_577 = tpu.vector_load %arg4[%swap3A_576] {strides = array<i32>} : memref<1024xf32, #tpu.memory_space<vmem>>, vector<16xf32>,
      %swap3A_578 = vector.shape_cast %swap3A_577 : vector<16xf32> to vector<16xf32>
      %swap3A_579 = vector.shape_cast %mul3A_575 : vector<16xf32> to vector<16xf32>
      tpu.vector_store %arg4[%swap3A_576], %swap3A_579 {strides = array<i32>} : memref<1024xf32, #tpu.memory_space<vmem>>, vector<16xf32>,
      %get3A_580 = arith.constant 320 : index
      %get3A_581 = tpu.vector_load %arg4[%get3A_580] {strides = array<i32>} : memref<1024xf32, #tpu.memory_space<vmem>>, vector<16xf32>,
      %get3A_582 = vector.shape_cast %get3A_581 : vector<16xf32> to vector<16xf32>
      %mul3A_583 = arith.mulf %get3A_582, %select_n3A : vector<16xf32>
      %swap3A_584 = arith.constant 320 : index
      %swap3A_585 = tpu.vector_load %arg4[%swap3A_584] {strides = array<i32>} : memref<1024xf32, #tpu.memory_space<vmem>>, vector<16xf32>,
      %swap3A_586 = vector.shape_cast %swap3A_585 : vector<16xf32> to vector<16xf32>
      %swap3A_587 = vector.shape_cast %mul3A_583 : vector<16xf32> to vector<16xf32>
      tpu.vector_store %arg4[%swap3A_584], %swap3A_587 {strides = array<i32>} : memref<1024xf32, #tpu.memory_space<vmem>>, vector<16xf32>,
      %get3A_588 = arith.constant 336 : index
      %get3A_589 = tpu.vector_load %arg4[%get3A_588] {strides = array<i32>} : memref<1024xf32, #tpu.memory_space<vmem>>, vector<16xf32>,
      %get3A_590 = vector.shape_cast %get3A_589 : vector<16xf32> to vector<16xf32>
      %mul3A_591 = arith.mulf %get3A_590, %select_n3A : vector<16xf32>
      %swap3A_592 = arith.constant 336 : index
      %swap3A_593 = tpu.vector_load %arg4[%swap3A_592] {strides = array<i32>} : memref<1024xf32, #tpu.memory_space<vmem>>, vector<16xf32>,
      %swap3A_594 = vector.shape_cast %swap3A_593 : vector<16xf32> to vector<16xf32>
      %swap3A_595 = vector.shape_cast %mul3A_591 : vector<16xf32> to vector<16xf32>
      tpu.vector_store %arg4[%swap3A_592], %swap3A_595 {strides = array<i32>} : memref<1024xf32, #tpu.memory_space<vmem>>, vector<16xf32>,
      %get3A_596 = arith.constant 352 : index
      %get3A_597 = tpu.vector_load %arg4[%get3A_596] {strides = array<i32>} : memref<1024xf32, #tpu.memory_space<vmem>>, vector<16xf32>,
      %get3A_598 = vector.shape_cast %get3A_597 : vector<16xf32> to vector<16xf32>
      %mul3A_599 = arith.mulf %get3A_598, %select_n3A : vector<16xf32>
      %swap3A_600 = arith.constant 352 : index
      %swap3A_601 = tpu.vector_load %arg4[%swap3A_600] {strides = array<i32>} : memref<1024xf32, #tpu.memory_space<vmem>>, vector<16xf32>,
      %swap3A_602 = vector.shape_cast %swap3A_601 : vector<16xf32> to vector<16xf32>
      %swap3A_603 = vector.shape_cast %mul3A_599 : vector<16xf32> to vector<16xf32>
      tpu.vector_store %arg4[%swap3A_600], %swap3A_603 {strides = array<i32>} : memref<1024xf32, #tpu.memory_space<vmem>>, vector<16xf32>,
      %get3A_604 = arith.constant 368 : index
      %get3A_605 = tpu.vector_load %arg4[%get3A_604] {strides = array<i32>} : memref<1024xf32, #tpu.memory_space<vmem>>, vector<16xf32>,
      %get3A_606 = vector.shape_cast %get3A_605 : vector<16xf32> to vector<16xf32>
      %mul3A_607 = arith.mulf %get3A_606, %select_n3A : vector<16xf32>
      %swap3A_608 = arith.constant 368 : index
      %swap3A_609 = tpu.vector_load %arg4[%swap3A_608] {strides = array<i32>} : memref<1024xf32, #tpu.memory_space<vmem>>, vector<16xf32>,
      %swap3A_610 = vector.shape_cast %swap3A_609 : vector<16xf32> to vector<16xf32>
      %swap3A_611 = vector.shape_cast %mul3A_607 : vector<16xf32> to vector<16xf32>
      tpu.vector_store %arg4[%swap3A_608], %swap3A_611 {strides = array<i32>} : memref<1024xf32, #tpu.memory_space<vmem>>, vector<16xf32>,
      %get3A_612 = arith.constant 384 : index
      %get3A_613 = tpu.vector_load %arg4[%get3A_612] {strides = array<i32>} : memref<1024xf32, #tpu.memory_space<vmem>>, vector<16xf32>,
      %get3A_614 = vector.shape_cast %get3A_613 : vector<16xf32> to vector<16xf32>
      %mul3A_615 = arith.mulf %get3A_614, %select_n3A : vector<16xf32>
      %swap3A_616 = arith.constant 384 : index
      %swap3A_617 = tpu.vector_load %arg4[%swap3A_616] {strides = array<i32>} : memref<1024xf32, #tpu.memory_space<vmem>>, vector<16xf32>,
      %swap3A_618 = vector.shape_cast %swap3A_617 : vector<16xf32> to vector<16xf32>
      %swap3A_619 = vector.shape_cast %mul3A_615 : vector<16xf32> to vector<16xf32>
      tpu.vector_store %arg4[%swap3A_616], %swap3A_619 {strides = array<i32>} : memref<1024xf32, #tpu.memory_space<vmem>>, vector<16xf32>,
      %get3A_620 = arith.constant 400 : index
      %get3A_621 = tpu.vector_load %arg4[%get3A_620] {strides = array<i32>} : memref<1024xf32, #tpu.memory_space<vmem>>, vector<16xf32>,
      %get3A_622 = vector.shape_cast %get3A_621 : vector<16xf32> to vector<16xf32>
      %mul3A_623 = arith.mulf %get3A_622, %select_n3A : vector<16xf32>
      %swap3A_624 = arith.constant 400 : index
      %swap3A_625 = tpu.vector_load %arg4[%swap3A_624] {strides = array<i32>} : memref<1024xf32, #tpu.memory_space<vmem>>, vector<16xf32>,
      %swap3A_626 = vector.shape_cast %swap3A_625 : vector<16xf32> to vector<16xf32>
      %swap3A_627 = vector.shape_cast %mul3A_623 : vector<16xf32> to vector<16xf32>
      tpu.vector_store %arg4[%swap3A_624], %swap3A_627 {strides = array<i32>} : memref<1024xf32, #tpu.memory_space<vmem>>, vector<16xf32>,
      %get3A_628 = arith.constant 416 : index
      %get3A_629 = tpu.vector_load %arg4[%get3A_628] {strides = array<i32>} : memref<1024xf32, #tpu.memory_space<vmem>>, vector<16xf32>,
      %get3A_630 = vector.shape_cast %get3A_629 : vector<16xf32> to vector<16xf32>
      %mul3A_631 = arith.mulf %get3A_630, %select_n3A : vector<16xf32>
      %swap3A_632 = arith.constant 416 : index
      %swap3A_633 = tpu.vector_load %arg4[%swap3A_632] {strides = array<i32>} : memref<1024xf32, #tpu.memory_space<vmem>>, vector<16xf32>,
      %swap3A_634 = vector.shape_cast %swap3A_633 : vector<16xf32> to vector<16xf32>
      %swap3A_635 = vector.shape_cast %mul3A_631 : vector<16xf32> to vector<16xf32>
      tpu.vector_store %arg4[%swap3A_632], %swap3A_635 {strides = array<i32>} : memref<1024xf32, #tpu.memory_space<vmem>>, vector<16xf32>,
      %get3A_636 = arith.constant 432 : index
      %get3A_637 = tpu.vector_load %arg4[%get3A_636] {strides = array<i32>} : memref<1024xf32, #tpu.memory_space<vmem>>, vector<16xf32>,
      %get3A_638 = vector.shape_cast %get3A_637 : vector<16xf32> to vector<16xf32>
      %mul3A_639 = arith.mulf %get3A_638, %select_n3A : vector<16xf32>
      %swap3A_640 = arith.constant 432 : index
      %swap3A_641 = tpu.vector_load %arg4[%swap3A_640] {strides = array<i32>} : memref<1024xf32, #tpu.memory_space<vmem>>, vector<16xf32>,
      %swap3A_642 = vector.shape_cast %swap3A_641 : vector<16xf32> to vector<16xf32>
      %swap3A_643 = vector.shape_cast %mul3A_639 : vector<16xf32> to vector<16xf32>
      tpu.vector_store %arg4[%swap3A_640], %swap3A_643 {strides = array<i32>} : memref<1024xf32, #tpu.memory_space<vmem>>, vector<16xf32>,
      %get3A_644 = arith.constant 448 : index
      %get3A_645 = tpu.vector_load %arg4[%get3A_644] {strides = array<i32>} : memref<1024xf32, #tpu.memory_space<vmem>>, vector<16xf32>,
      %get3A_646 = vector.shape_cast %get3A_645 : vector<16xf32> to vector<16xf32>
      %mul3A_647 = arith.mulf %get3A_646, %select_n3A : vector<16xf32>
      %swap3A_648 = arith.constant 448 : index
      %swap3A_649 = tpu.vector_load %arg4[%swap3A_648] {strides = array<i32>} : memref<1024xf32, #tpu.memory_space<vmem>>, vector<16xf32>,
      %swap3A_650 = vector.shape_cast %swap3A_649 : vector<16xf32> to vector<16xf32>
      %swap3A_651 = vector.shape_cast %mul3A_647 : vector<16xf32> to vector<16xf32>
      tpu.vector_store %arg4[%swap3A_648], %swap3A_651 {strides = array<i32>} : memref<1024xf32, #tpu.memory_space<vmem>>, vector<16xf32>,
      %get3A_652 = arith.constant 464 : index
      %get3A_653 = tpu.vector_load %arg4[%get3A_652] {strides = array<i32>} : memref<1024xf32, #tpu.memory_space<vmem>>, vector<16xf32>,
      %get3A_654 = vector.shape_cast %get3A_653 : vector<16xf32> to vector<16xf32>
      %mul3A_655 = arith.mulf %get3A_654, %select_n3A : vector<16xf32>
      %swap3A_656 = arith.constant 464 : index
      %swap3A_657 = tpu.vector_load %arg4[%swap3A_656] {strides = array<i32>} : memref<1024xf32, #tpu.memory_space<vmem>>, vector<16xf32>,
      %swap3A_658 = vector.shape_cast %swap3A_657 : vector<16xf32> to vector<16xf32>
      %swap3A_659 = vector.shape_cast %mul3A_655 : vector<16xf32> to vector<16xf32>
      tpu.vector_store %arg4[%swap3A_656], %swap3A_659 {strides = array<i32>} : memref<1024xf32, #tpu.memory_space<vmem>>, vector<16xf32>,
      %get3A_660 = arith.constant 480 : index
      %get3A_661 = tpu.vector_load %arg4[%get3A_660] {strides = array<i32>} : memref<1024xf32, #tpu.memory_space<vmem>>, vector<16xf32>,
      %get3A_662 = vector.shape_cast %get3A_661 : vector<16xf32> to vector<16xf32>
      %mul3A_663 = arith.mulf %get3A_662, %select_n3A : vector<16xf32>
      %swap3A_664 = arith.constant 480 : index
      %swap3A_665 = tpu.vector_load %arg4[%swap3A_664] {strides = array<i32>} : memref<1024xf32, #tpu.memory_space<vmem>>, vector<16xf32>,
      %swap3A_666 = vector.shape_cast %swap3A_665 : vector<16xf32> to vector<16xf32>
      %swap3A_667 = vector.shape_cast %mul3A_663 : vector<16xf32> to vector<16xf32>
      tpu.vector_store %arg4[%swap3A_664], %swap3A_667 {strides = array<i32>} : memref<1024xf32, #tpu.memory_space<vmem>>, vector<16xf32>,
      %get3A_668 = arith.constant 496 : index
      %get3A_669 = tpu.vector_load %arg4[%get3A_668] {strides = array<i32>} : memref<1024xf32, #tpu.memory_space<vmem>>, vector<16xf32>,
      %get3A_670 = vector.shape_cast %get3A_669 : vector<16xf32> to vector<16xf32>
      %mul3A_671 = arith.mulf %get3A_670, %select_n3A : vector<16xf32>
      %swap3A_672 = arith.constant 496 : index
      %swap3A_673 = tpu.vector_load %arg4[%swap3A_672] {strides = array<i32>} : memref<1024xf32, #tpu.memory_space<vmem>>, vector<16xf32>,
      %swap3A_674 = vector.shape_cast %swap3A_673 : vector<16xf32> to vector<16xf32>
      %swap3A_675 = vector.shape_cast %mul3A_671 : vector<16xf32> to vector<16xf32>
      tpu.vector_store %arg4[%swap3A_672], %swap3A_675 {strides = array<i32>} : memref<1024xf32, #tpu.memory_space<vmem>>, vector<16xf32>,
      %get3A_676 = arith.constant 512 : index
      %get3A_677 = tpu.vector_load %arg4[%get3A_676] {strides = array<i32>} : memref<1024xf32, #tpu.memory_space<vmem>>, vector<16xf32>,
      %get3A_678 = vector.shape_cast %get3A_677 : vector<16xf32> to vector<16xf32>
      %mul3A_679 = arith.mulf %get3A_678, %select_n3A : vector<16xf32>
      %swap3A_680 = arith.constant 512 : index
      %swap3A_681 = tpu.vector_load %arg4[%swap3A_680] {strides = array<i32>} : memref<1024xf32, #tpu.memory_space<vmem>>, vector<16xf32>,
      %swap3A_682 = vector.shape_cast %swap3A_681 : vector<16xf32> to vector<16xf32>
      %swap3A_683 = vector.shape_cast %mul3A_679 : vector<16xf32> to vector<16xf32>
      tpu.vector_store %arg4[%swap3A_680], %swap3A_683 {strides = array<i32>} : memref<1024xf32, #tpu.memory_space<vmem>>, vector<16xf32>,
      %get3A_684 = arith.constant 528 : index
      %get3A_685 = tpu.vector_load %arg4[%get3A_684] {strides = array<i32>} : memref<1024xf32, #tpu.memory_space<vmem>>, vector<16xf32>,
      %get3A_686 = vector.shape_cast %get3A_685 : vector<16xf32> to vector<16xf32>
      %mul3A_687 = arith.mulf %get3A_686, %select_n3A : vector<16xf32>
      %swap3A_688 = arith.constant 528 : index
      %swap3A_689 = tpu.vector_load %arg4[%swap3A_688] {strides = array<i32>} : memref<1024xf32, #tpu.memory_space<vmem>>, vector<16xf32>,
      %swap3A_690 = vector.shape_cast %swap3A_689 : vector<16xf32> to vector<16xf32>
      %swap3A_691 = vector.shape_cast %mul3A_687 : vector<16xf32> to vector<16xf32>
      tpu.vector_store %arg4[%swap3A_688], %swap3A_691 {strides = array<i32>} : memref<1024xf32, #tpu.memory_space<vmem>>, vector<16xf32>,
      %get3A_692 = arith.constant 544 : index
      %get3A_693 = tpu.vector_load %arg4[%get3A_692] {strides = array<i32>} : memref<1024xf32, #tpu.memory_space<vmem>>, vector<16xf32>,
      %get3A_694 = vector.shape_cast %get3A_693 : vector<16xf32> to vector<16xf32>
      %mul3A_695 = arith.mulf %get3A_694, %select_n3A : vector<16xf32>
      %swap3A_696 = arith.constant 544 : index
      %swap3A_697 = tpu.vector_load %arg4[%swap3A_696] {strides = array<i32>} : memref<1024xf32, #tpu.memory_space<vmem>>, vector<16xf32>,
      %swap3A_698 = vector.shape_cast %swap3A_697 : vector<16xf32> to vector<16xf32>
      %swap3A_699 = vector.shape_cast %mul3A_695 : vector<16xf32> to vector<16xf32>
      tpu.vector_store %arg4[%swap3A_696], %swap3A_699 {strides = array<i32>} : memref<1024xf32, #tpu.memory_space<vmem>>, vector<16xf32>,
      %get3A_700 = arith.constant 560 : index
      %get3A_701 = tpu.vector_load %arg4[%get3A_700] {strides = array<i32>} : memref<1024xf32, #tpu.memory_space<vmem>>, vector<16xf32>,
      %get3A_702 = vector.shape_cast %get3A_701 : vector<16xf32> to vector<16xf32>
      %mul3A_703 = arith.mulf %get3A_702, %select_n3A : vector<16xf32>
      %swap3A_704 = arith.constant 560 : index
      %swap3A_705 = tpu.vector_load %arg4[%swap3A_704] {strides = array<i32>} : memref<1024xf32, #tpu.memory_space<vmem>>, vector<16xf32>,
      %swap3A_706 = vector.shape_cast %swap3A_705 : vector<16xf32> to vector<16xf32>
      %swap3A_707 = vector.shape_cast %mul3A_703 : vector<16xf32> to vector<16xf32>
      tpu.vector_store %arg4[%swap3A_704], %swap3A_707 {strides = array<i32>} : memref<1024xf32, #tpu.memory_space<vmem>>, vector<16xf32>,
      %get3A_708 = arith.constant 576 : index
      %get3A_709 = tpu.vector_load %arg4[%get3A_708] {strides = array<i32>} : memref<1024xf32, #tpu.memory_space<vmem>>, vector<16xf32>,
      %get3A_710 = vector.shape_cast %get3A_709 : vector<16xf32> to vector<16xf32>
      %mul3A_711 = arith.mulf %get3A_710, %select_n3A : vector<16xf32>
      %swap3A_712 = arith.constant 576 : index
      %swap3A_713 = tpu.vector_load %arg4[%swap3A_712] {strides = array<i32>} : memref<1024xf32, #tpu.memory_space<vmem>>, vector<16xf32>,
      %swap3A_714 = vector.shape_cast %swap3A_713 : vector<16xf32> to vector<16xf32>
      %swap3A_715 = vector.shape_cast %mul3A_711 : vector<16xf32> to vector<16xf32>
      tpu.vector_store %arg4[%swap3A_712], %swap3A_715 {strides = array<i32>} : memref<1024xf32, #tpu.memory_space<vmem>>, vector<16xf32>,
      %get3A_716 = arith.constant 592 : index
      %get3A_717 = tpu.vector_load %arg4[%get3A_716] {strides = array<i32>} : memref<1024xf32, #tpu.memory_space<vmem>>, vector<16xf32>,
      %get3A_718 = vector.shape_cast %get3A_717 : vector<16xf32> to vector<16xf32>
      %mul3A_719 = arith.mulf %get3A_718, %select_n3A : vector<16xf32>
      %swap3A_720 = arith.constant 592 : index
      %swap3A_721 = tpu.vector_load %arg4[%swap3A_720] {strides = array<i32>} : memref<1024xf32, #tpu.memory_space<vmem>>, vector<16xf32>,
      %swap3A_722 = vector.shape_cast %swap3A_721 : vector<16xf32> to vector<16xf32>
      %swap3A_723 = vector.shape_cast %mul3A_719 : vector<16xf32> to vector<16xf32>
      tpu.vector_store %arg4[%swap3A_720], %swap3A_723 {strides = array<i32>} : memref<1024xf32, #tpu.memory_space<vmem>>, vector<16xf32>,
      %get3A_724 = arith.constant 608 : index
      %get3A_725 = tpu.vector_load %arg4[%get3A_724] {strides = array<i32>} : memref<1024xf32, #tpu.memory_space<vmem>>, vector<16xf32>,
      %get3A_726 = vector.shape_cast %get3A_725 : vector<16xf32> to vector<16xf32>
      %mul3A_727 = arith.mulf %get3A_726, %select_n3A : vector<16xf32>
      %swap3A_728 = arith.constant 608 : index
      %swap3A_729 = tpu.vector_load %arg4[%swap3A_728] {strides = array<i32>} : memref<1024xf32, #tpu.memory_space<vmem>>, vector<16xf32>,
      %swap3A_730 = vector.shape_cast %swap3A_729 : vector<16xf32> to vector<16xf32>
      %swap3A_731 = vector.shape_cast %mul3A_727 : vector<16xf32> to vector<16xf32>
      tpu.vector_store %arg4[%swap3A_728], %swap3A_731 {strides = array<i32>} : memref<1024xf32, #tpu.memory_space<vmem>>, vector<16xf32>,
      %get3A_732 = arith.constant 624 : index
      %get3A_733 = tpu.vector_load %arg4[%get3A_732] {strides = array<i32>} : memref<1024xf32, #tpu.memory_space<vmem>>, vector<16xf32>,
      %get3A_734 = vector.shape_cast %get3A_733 : vector<16xf32> to vector<16xf32>
      %mul3A_735 = arith.mulf %get3A_734, %select_n3A : vector<16xf32>
      %swap3A_736 = arith.constant 624 : index
      %swap3A_737 = tpu.vector_load %arg4[%swap3A_736] {strides = array<i32>} : memref<1024xf32, #tpu.memory_space<vmem>>, vector<16xf32>,
      %swap3A_738 = vector.shape_cast %swap3A_737 : vector<16xf32> to vector<16xf32>
      %swap3A_739 = vector.shape_cast %mul3A_735 : vector<16xf32> to vector<16xf32>
      tpu.vector_store %arg4[%swap3A_736], %swap3A_739 {strides = array<i32>} : memref<1024xf32, #tpu.memory_space<vmem>>, vector<16xf32>,
      %get3A_740 = arith.constant 640 : index
      %get3A_741 = tpu.vector_load %arg4[%get3A_740] {strides = array<i32>} : memref<1024xf32, #tpu.memory_space<vmem>>, vector<16xf32>,
      %get3A_742 = vector.shape_cast %get3A_741 : vector<16xf32> to vector<16xf32>
      %mul3A_743 = arith.mulf %get3A_742, %select_n3A : vector<16xf32>
      %swap3A_744 = arith.constant 640 : index
      %swap3A_745 = tpu.vector_load %arg4[%swap3A_744] {strides = array<i32>} : memref<1024xf32, #tpu.memory_space<vmem>>, vector<16xf32>,
      %swap3A_746 = vector.shape_cast %swap3A_745 : vector<16xf32> to vector<16xf32>
      %swap3A_747 = vector.shape_cast %mul3A_743 : vector<16xf32> to vector<16xf32>
      tpu.vector_store %arg4[%swap3A_744], %swap3A_747 {strides = array<i32>} : memref<1024xf32, #tpu.memory_space<vmem>>, vector<16xf32>,
      %get3A_748 = arith.constant 656 : index
      %get3A_749 = tpu.vector_load %arg4[%get3A_748] {strides = array<i32>} : memref<1024xf32, #tpu.memory_space<vmem>>, vector<16xf32>,
      %get3A_750 = vector.shape_cast %get3A_749 : vector<16xf32> to vector<16xf32>
      %mul3A_751 = arith.mulf %get3A_750, %select_n3A : vector<16xf32>
      %swap3A_752 = arith.constant 656 : index
      %swap3A_753 = tpu.vector_load %arg4[%swap3A_752] {strides = array<i32>} : memref<1024xf32, #tpu.memory_space<vmem>>, vector<16xf32>,
      %swap3A_754 = vector.shape_cast %swap3A_753 : vector<16xf32> to vector<16xf32>
      %swap3A_755 = vector.shape_cast %mul3A_751 : vector<16xf32> to vector<16xf32>
      tpu.vector_store %arg4[%swap3A_752], %swap3A_755 {strides = array<i32>} : memref<1024xf32, #tpu.memory_space<vmem>>, vector<16xf32>,
      %get3A_756 = arith.constant 672 : index
      %get3A_757 = tpu.vector_load %arg4[%get3A_756] {strides = array<i32>} : memref<1024xf32, #tpu.memory_space<vmem>>, vector<16xf32>,
      %get3A_758 = vector.shape_cast %get3A_757 : vector<16xf32> to vector<16xf32>
      %mul3A_759 = arith.mulf %get3A_758, %select_n3A : vector<16xf32>
      %swap3A_760 = arith.constant 672 : index
      %swap3A_761 = tpu.vector_load %arg4[%swap3A_760] {strides = array<i32>} : memref<1024xf32, #tpu.memory_space<vmem>>, vector<16xf32>,
      %swap3A_762 = vector.shape_cast %swap3A_761 : vector<16xf32> to vector<16xf32>
      %swap3A_763 = vector.shape_cast %mul3A_759 : vector<16xf32> to vector<16xf32>
      tpu.vector_store %arg4[%swap3A_760], %swap3A_763 {strides = array<i32>} : memref<1024xf32, #tpu.memory_space<vmem>>, vector<16xf32>,
      %get3A_764 = arith.constant 688 : index
      %get3A_765 = tpu.vector_load %arg4[%get3A_764] {strides = array<i32>} : memref<1024xf32, #tpu.memory_space<vmem>>, vector<16xf32>,
      %get3A_766 = vector.shape_cast %get3A_765 : vector<16xf32> to vector<16xf32>
      %mul3A_767 = arith.mulf %get3A_766, %select_n3A : vector<16xf32>
      %swap3A_768 = arith.constant 688 : index
      %swap3A_769 = tpu.vector_load %arg4[%swap3A_768] {strides = array<i32>} : memref<1024xf32, #tpu.memory_space<vmem>>, vector<16xf32>,
      %swap3A_770 = vector.shape_cast %swap3A_769 : vector<16xf32> to vector<16xf32>
      %swap3A_771 = vector.shape_cast %mul3A_767 : vector<16xf32> to vector<16xf32>
      tpu.vector_store %arg4[%swap3A_768], %swap3A_771 {strides = array<i32>} : memref<1024xf32, #tpu.memory_space<vmem>>, vector<16xf32>,
      %get3A_772 = arith.constant 704 : index
      %get3A_773 = tpu.vector_load %arg4[%get3A_772] {strides = array<i32>} : memref<1024xf32, #tpu.memory_space<vmem>>, vector<16xf32>,
      %get3A_774 = vector.shape_cast %get3A_773 : vector<16xf32> to vector<16xf32>
      %mul3A_775 = arith.mulf %get3A_774, %select_n3A : vector<16xf32>
      %swap3A_776 = arith.constant 704 : index
      %swap3A_777 = tpu.vector_load %arg4[%swap3A_776] {strides = array<i32>} : memref<1024xf32, #tpu.memory_space<vmem>>, vector<16xf32>,
      %swap3A_778 = vector.shape_cast %swap3A_777 : vector<16xf32> to vector<16xf32>
      %swap3A_779 = vector.shape_cast %mul3A_775 : vector<16xf32> to vector<16xf32>
      tpu.vector_store %arg4[%swap3A_776], %swap3A_779 {strides = array<i32>} : memref<1024xf32, #tpu.memory_space<vmem>>, vector<16xf32>,
      %get3A_780 = arith.constant 720 : index
      %get3A_781 = tpu.vector_load %arg4[%get3A_780] {strides = array<i32>} : memref<1024xf32, #tpu.memory_space<vmem>>, vector<16xf32>,
      %get3A_782 = vector.shape_cast %get3A_781 : vector<16xf32> to vector<16xf32>
      %mul3A_783 = arith.mulf %get3A_782, %select_n3A : vector<16xf32>
      %swap3A_784 = arith.constant 720 : index
      %swap3A_785 = tpu.vector_load %arg4[%swap3A_784] {strides = array<i32>} : memref<1024xf32, #tpu.memory_space<vmem>>, vector<16xf32>,
      %swap3A_786 = vector.shape_cast %swap3A_785 : vector<16xf32> to vector<16xf32>
      %swap3A_787 = vector.shape_cast %mul3A_783 : vector<16xf32> to vector<16xf32>
      tpu.vector_store %arg4[%swap3A_784], %swap3A_787 {strides = array<i32>} : memref<1024xf32, #tpu.memory_space<vmem>>, vector<16xf32>,
      %get3A_788 = arith.constant 736 : index
      %get3A_789 = tpu.vector_load %arg4[%get3A_788] {strides = array<i32>} : memref<1024xf32, #tpu.memory_space<vmem>>, vector<16xf32>,
      %get3A_790 = vector.shape_cast %get3A_789 : vector<16xf32> to vector<16xf32>
      %mul3A_791 = arith.mulf %get3A_790, %select_n3A : vector<16xf32>
      %swap3A_792 = arith.constant 736 : index
      %swap3A_793 = tpu.vector_load %arg4[%swap3A_792] {strides = array<i32>} : memref<1024xf32, #tpu.memory_space<vmem>>, vector<16xf32>,
      %swap3A_794 = vector.shape_cast %swap3A_793 : vector<16xf32> to vector<16xf32>
      %swap3A_795 = vector.shape_cast %mul3A_791 : vector<16xf32> to vector<16xf32>
      tpu.vector_store %arg4[%swap3A_792], %swap3A_795 {strides = array<i32>} : memref<1024xf32, #tpu.memory_space<vmem>>, vector<16xf32>,
      %get3A_796 = arith.constant 752 : index
      %get3A_797 = tpu.vector_load %arg4[%get3A_796] {strides = array<i32>} : memref<1024xf32, #tpu.memory_space<vmem>>, vector<16xf32>,
      %get3A_798 = vector.shape_cast %get3A_797 : vector<16xf32> to vector<16xf32>
      %mul3A_799 = arith.mulf %get3A_798, %select_n3A : vector<16xf32>
      %swap3A_800 = arith.constant 752 : index
      %swap3A_801 = tpu.vector_load %arg4[%swap3A_800] {strides = array<i32>} : memref<1024xf32, #tpu.memory_space<vmem>>, vector<16xf32>,
      %swap3A_802 = vector.shape_cast %swap3A_801 : vector<16xf32> to vector<16xf32>
      %swap3A_803 = vector.shape_cast %mul3A_799 : vector<16xf32> to vector<16xf32>
      tpu.vector_store %arg4[%swap3A_800], %swap3A_803 {strides = array<i32>} : memref<1024xf32, #tpu.memory_space<vmem>>, vector<16xf32>,
      %get3A_804 = arith.constant 768 : index
      %get3A_805 = tpu.vector_load %arg4[%get3A_804] {strides = array<i32>} : memref<1024xf32, #tpu.memory_space<vmem>>, vector<16xf32>,
      %get3A_806 = vector.shape_cast %get3A_805 : vector<16xf32> to vector<16xf32>
      %mul3A_807 = arith.mulf %get3A_806, %select_n3A : vector<16xf32>
      %swap3A_808 = arith.constant 768 : index
      %swap3A_809 = tpu.vector_load %arg4[%swap3A_808] {strides = array<i32>} : memref<1024xf32, #tpu.memory_space<vmem>>, vector<16xf32>,
      %swap3A_810 = vector.shape_cast %swap3A_809 : vector<16xf32> to vector<16xf32>
      %swap3A_811 = vector.shape_cast %mul3A_807 : vector<16xf32> to vector<16xf32>
      tpu.vector_store %arg4[%swap3A_808], %swap3A_811 {strides = array<i32>} : memref<1024xf32, #tpu.memory_space<vmem>>, vector<16xf32>,
      %get3A_812 = arith.constant 784 : index
      %get3A_813 = tpu.vector_load %arg4[%get3A_812] {strides = array<i32>} : memref<1024xf32, #tpu.memory_space<vmem>>, vector<16xf32>,
      %get3A_814 = vector.shape_cast %get3A_813 : vector<16xf32> to vector<16xf32>
      %mul3A_815 = arith.mulf %get3A_814, %select_n3A : vector<16xf32>
      %swap3A_816 = arith.constant 784 : index
      %swap3A_817 = tpu.vector_load %arg4[%swap3A_816] {strides = array<i32>} : memref<1024xf32, #tpu.memory_space<vmem>>, vector<16xf32>,
      %swap3A_818 = vector.shape_cast %swap3A_817 : vector<16xf32> to vector<16xf32>
      %swap3A_819 = vector.shape_cast %mul3A_815 : vector<16xf32> to vector<16xf32>
      tpu.vector_store %arg4[%swap3A_816], %swap3A_819 {strides = array<i32>} : memref<1024xf32, #tpu.memory_space<vmem>>, vector<16xf32>,
      %get3A_820 = arith.constant 800 : index
      %get3A_821 = tpu.vector_load %arg4[%get3A_820] {strides = array<i32>} : memref<1024xf32, #tpu.memory_space<vmem>>, vector<16xf32>,
      %get3A_822 = vector.shape_cast %get3A_821 : vector<16xf32> to vector<16xf32>
      %mul3A_823 = arith.mulf %get3A_822, %select_n3A : vector<16xf32>
      %swap3A_824 = arith.constant 800 : index
      %swap3A_825 = tpu.vector_load %arg4[%swap3A_824] {strides = array<i32>} : memref<1024xf32, #tpu.memory_space<vmem>>, vector<16xf32>,
      %swap3A_826 = vector.shape_cast %swap3A_825 : vector<16xf32> to vector<16xf32>
      %swap3A_827 = vector.shape_cast %mul3A_823 : vector<16xf32> to vector<16xf32>
      tpu.vector_store %arg4[%swap3A_824], %swap3A_827 {strides = array<i32>} : memref<1024xf32, #tpu.memory_space<vmem>>, vector<16xf32>,
      %get3A_828 = arith.constant 816 : index
      %get3A_829 = tpu.vector_load %arg4[%get3A_828] {strides = array<i32>} : memref<1024xf32, #tpu.memory_space<vmem>>, vector<16xf32>,
      %get3A_830 = vector.shape_cast %get3A_829 : vector<16xf32> to vector<16xf32>
      %mul3A_831 = arith.mulf %get3A_830, %select_n3A : vector<16xf32>
      %swap3A_832 = arith.constant 816 : index
      %swap3A_833 = tpu.vector_load %arg4[%swap3A_832] {strides = array<i32>} : memref<1024xf32, #tpu.memory_space<vmem>>, vector<16xf32>,
      %swap3A_834 = vector.shape_cast %swap3A_833 : vector<16xf32> to vector<16xf32>
      %swap3A_835 = vector.shape_cast %mul3A_831 : vector<16xf32> to vector<16xf32>
      tpu.vector_store %arg4[%swap3A_832], %swap3A_835 {strides = array<i32>} : memref<1024xf32, #tpu.memory_space<vmem>>, vector<16xf32>,
      %get3A_836 = arith.constant 832 : index
      %get3A_837 = tpu.vector_load %arg4[%get3A_836] {strides = array<i32>} : memref<1024xf32, #tpu.memory_space<vmem>>, vector<16xf32>,
      %get3A_838 = vector.shape_cast %get3A_837 : vector<16xf32> to vector<16xf32>
      %mul3A_839 = arith.mulf %get3A_838, %select_n3A : vector<16xf32>
      %swap3A_840 = arith.constant 832 : index
      %swap3A_841 = tpu.vector_load %arg4[%swap3A_840] {strides = array<i32>} : memref<1024xf32, #tpu.memory_space<vmem>>, vector<16xf32>,
      %swap3A_842 = vector.shape_cast %swap3A_841 : vector<16xf32> to vector<16xf32>
      %swap3A_843 = vector.shape_cast %mul3A_839 : vector<16xf32> to vector<16xf32>
      tpu.vector_store %arg4[%swap3A_840], %swap3A_843 {strides = array<i32>} : memref<1024xf32, #tpu.memory_space<vmem>>, vector<16xf32>,
      %get3A_844 = arith.constant 848 : index
      %get3A_845 = tpu.vector_load %arg4[%get3A_844] {strides = array<i32>} : memref<1024xf32, #tpu.memory_space<vmem>>, vector<16xf32>,
      %get3A_846 = vector.shape_cast %get3A_845 : vector<16xf32> to vector<16xf32>
      %mul3A_847 = arith.mulf %get3A_846, %select_n3A : vector<16xf32>
      %swap3A_848 = arith.constant 848 : index
      %swap3A_849 = tpu.vector_load %arg4[%swap3A_848] {strides = array<i32>} : memref<1024xf32, #tpu.memory_space<vmem>>, vector<16xf32>,
      %swap3A_850 = vector.shape_cast %swap3A_849 : vector<16xf32> to vector<16xf32>
      %swap3A_851 = vector.shape_cast %mul3A_847 : vector<16xf32> to vector<16xf32>
      tpu.vector_store %arg4[%swap3A_848], %swap3A_851 {strides = array<i32>} : memref<1024xf32, #tpu.memory_space<vmem>>, vector<16xf32>,
      %get3A_852 = arith.constant 864 : index
      %get3A_853 = tpu.vector_load %arg4[%get3A_852] {strides = array<i32>} : memref<1024xf32, #tpu.memory_space<vmem>>, vector<16xf32>,
      %get3A_854 = vector.shape_cast %get3A_853 : vector<16xf32> to vector<16xf32>
      %mul3A_855 = arith.mulf %get3A_854, %select_n3A : vector<16xf32>
      %swap3A_856 = arith.constant 864 : index
      %swap3A_857 = tpu.vector_load %arg4[%swap3A_856] {strides = array<i32>} : memref<1024xf32, #tpu.memory_space<vmem>>, vector<16xf32>,
      %swap3A_858 = vector.shape_cast %swap3A_857 : vector<16xf32> to vector<16xf32>
      %swap3A_859 = vector.shape_cast %mul3A_855 : vector<16xf32> to vector<16xf32>
      tpu.vector_store %arg4[%swap3A_856], %swap3A_859 {strides = array<i32>} : memref<1024xf32, #tpu.memory_space<vmem>>, vector<16xf32>,
      %get3A_860 = arith.constant 880 : index
      %get3A_861 = tpu.vector_load %arg4[%get3A_860] {strides = array<i32>} : memref<1024xf32, #tpu.memory_space<vmem>>, vector<16xf32>,
      %get3A_862 = vector.shape_cast %get3A_861 : vector<16xf32> to vector<16xf32>
      %mul3A_863 = arith.mulf %get3A_862, %select_n3A : vector<16xf32>
      %swap3A_864 = arith.constant 880 : index
      %swap3A_865 = tpu.vector_load %arg4[%swap3A_864] {strides = array<i32>} : memref<1024xf32, #tpu.memory_space<vmem>>, vector<16xf32>,
      %swap3A_866 = vector.shape_cast %swap3A_865 : vector<16xf32> to vector<16xf32>
      %swap3A_867 = vector.shape_cast %mul3A_863 : vector<16xf32> to vector<16xf32>
      tpu.vector_store %arg4[%swap3A_864], %swap3A_867 {strides = array<i32>} : memref<1024xf32, #tpu.memory_space<vmem>>, vector<16xf32>,
      %get3A_868 = arith.constant 896 : index
      %get3A_869 = tpu.vector_load %arg4[%get3A_868] {strides = array<i32>} : memref<1024xf32, #tpu.memory_space<vmem>>, vector<16xf32>,
      %get3A_870 = vector.shape_cast %get3A_869 : vector<16xf32> to vector<16xf32>
      %mul3A_871 = arith.mulf %get3A_870, %select_n3A : vector<16xf32>
      %swap3A_872 = arith.constant 896 : index
      %swap3A_873 = tpu.vector_load %arg4[%swap3A_872] {strides = array<i32>} : memref<1024xf32, #tpu.memory_space<vmem>>, vector<16xf32>,
      %swap3A_874 = vector.shape_cast %swap3A_873 : vector<16xf32> to vector<16xf32>
      %swap3A_875 = vector.shape_cast %mul3A_871 : vector<16xf32> to vector<16xf32>
      tpu.vector_store %arg4[%swap3A_872], %swap3A_875 {strides = array<i32>} : memref<1024xf32, #tpu.memory_space<vmem>>, vector<16xf32>,
      %get3A_876 = arith.constant 912 : index
      %get3A_877 = tpu.vector_load %arg4[%get3A_876] {strides = array<i32>} : memref<1024xf32, #tpu.memory_space<vmem>>, vector<16xf32>,
      %get3A_878 = vector.shape_cast %get3A_877 : vector<16xf32> to vector<16xf32>
      %mul3A_879 = arith.mulf %get3A_878, %select_n3A : vector<16xf32>
      %swap3A_880 = arith.constant 912 : index
      %swap3A_881 = tpu.vector_load %arg4[%swap3A_880] {strides = array<i32>} : memref<1024xf32, #tpu.memory_space<vmem>>, vector<16xf32>,
      %swap3A_882 = vector.shape_cast %swap3A_881 : vector<16xf32> to vector<16xf32>
      %swap3A_883 = vector.shape_cast %mul3A_879 : vector<16xf32> to vector<16xf32>
      tpu.vector_store %arg4[%swap3A_880], %swap3A_883 {strides = array<i32>} : memref<1024xf32, #tpu.memory_space<vmem>>, vector<16xf32>,
      %get3A_884 = arith.constant 928 : index
      %get3A_885 = tpu.vector_load %arg4[%get3A_884] {strides = array<i32>} : memref<1024xf32, #tpu.memory_space<vmem>>, vector<16xf32>,
      %get3A_886 = vector.shape_cast %get3A_885 : vector<16xf32> to vector<16xf32>
      %mul3A_887 = arith.mulf %get3A_886, %select_n3A : vector<16xf32>
      %swap3A_888 = arith.constant 928 : index
      %swap3A_889 = tpu.vector_load %arg4[%swap3A_888] {strides = array<i32>} : memref<1024xf32, #tpu.memory_space<vmem>>, vector<16xf32>,
      %swap3A_890 = vector.shape_cast %swap3A_889 : vector<16xf32> to vector<16xf32>
      %swap3A_891 = vector.shape_cast %mul3A_887 : vector<16xf32> to vector<16xf32>
      tpu.vector_store %arg4[%swap3A_888], %swap3A_891 {strides = array<i32>} : memref<1024xf32, #tpu.memory_space<vmem>>, vector<16xf32>,
      %get3A_892 = arith.constant 944 : index
      %get3A_893 = tpu.vector_load %arg4[%get3A_892] {strides = array<i32>} : memref<1024xf32, #tpu.memory_space<vmem>>, vector<16xf32>,
      %get3A_894 = vector.shape_cast %get3A_893 : vector<16xf32> to vector<16xf32>
      %mul3A_895 = arith.mulf %get3A_894, %select_n3A : vector<16xf32>
      %swap3A_896 = arith.constant 944 : index
      %swap3A_897 = tpu.vector_load %arg4[%swap3A_896] {strides = array<i32>} : memref<1024xf32, #tpu.memory_space<vmem>>, vector<16xf32>,
      %swap3A_898 = vector.shape_cast %swap3A_897 : vector<16xf32> to vector<16xf32>
      %swap3A_899 = vector.shape_cast %mul3A_895 : vector<16xf32> to vector<16xf32>
      tpu.vector_store %arg4[%swap3A_896], %swap3A_899 {strides = array<i32>} : memref<1024xf32, #tpu.memory_space<vmem>>, vector<16xf32>,
      %get3A_900 = arith.constant 960 : index
      %get3A_901 = tpu.vector_load %arg4[%get3A_900] {strides = array<i32>} : memref<1024xf32, #tpu.memory_space<vmem>>, vector<16xf32>,
      %get3A_902 = vector.shape_cast %get3A_901 : vector<16xf32> to vector<16xf32>
      %mul3A_903 = arith.mulf %get3A_902, %select_n3A : vector<16xf32>
      %swap3A_904 = arith.constant 960 : index
      %swap3A_905 = tpu.vector_load %arg4[%swap3A_904] {strides = array<i32>} : memref<1024xf32, #tpu.memory_space<vmem>>, vector<16xf32>,
      %swap3A_906 = vector.shape_cast %swap3A_905 : vector<16xf32> to vector<16xf32>
      %swap3A_907 = vector.shape_cast %mul3A_903 : vector<16xf32> to vector<16xf32>
      tpu.vector_store %arg4[%swap3A_904], %swap3A_907 {strides = array<i32>} : memref<1024xf32, #tpu.memory_space<vmem>>, vector<16xf32>,
      %get3A_908 = arith.constant 976 : index
      %get3A_909 = tpu.vector_load %arg4[%get3A_908] {strides = array<i32>} : memref<1024xf32, #tpu.memory_space<vmem>>, vector<16xf32>,
      %get3A_910 = vector.shape_cast %get3A_909 : vector<16xf32> to vector<16xf32>
      %mul3A_911 = arith.mulf %get3A_910, %select_n3A : vector<16xf32>
      %swap3A_912 = arith.constant 976 : index
      %swap3A_913 = tpu.vector_load %arg4[%swap3A_912] {strides = array<i32>} : memref<1024xf32, #tpu.memory_space<vmem>>, vector<16xf32>,
      %swap3A_914 = vector.shape_cast %swap3A_913 : vector<16xf32> to vector<16xf32>
      %swap3A_915 = vector.shape_cast %mul3A_911 : vector<16xf32> to vector<16xf32>
      tpu.vector_store %arg4[%swap3A_912], %swap3A_915 {strides = array<i32>} : memref<1024xf32, #tpu.memory_space<vmem>>, vector<16xf32>,
      %get3A_916 = arith.constant 992 : index
      %get3A_917 = tpu.vector_load %arg4[%get3A_916] {strides = array<i32>} : memref<1024xf32, #tpu.memory_space<vmem>>, vector<16xf32>,
      %get3A_918 = vector.shape_cast %get3A_917 : vector<16xf32> to vector<16xf32>
      %mul3A_919 = arith.mulf %get3A_918, %select_n3A : vector<16xf32>
      %swap3A_920 = arith.constant 992 : index
      %swap3A_921 = tpu.vector_load %arg4[%swap3A_920] {strides = array<i32>} : memref<1024xf32, #tpu.memory_space<vmem>>, vector<16xf32>,
      %swap3A_922 = vector.shape_cast %swap3A_921 : vector<16xf32> to vector<16xf32>
      %swap3A_923 = vector.shape_cast %mul3A_919 : vector<16xf32> to vector<16xf32>
      tpu.vector_store %arg4[%swap3A_920], %swap3A_923 {strides = array<i32>} : memref<1024xf32, #tpu.memory_space<vmem>>, vector<16xf32>,
      %get3A_924 = arith.constant 1008 : index
      %get3A_925 = tpu.vector_load %arg4[%get3A_924] {strides = array<i32>} : memref<1024xf32, #tpu.memory_space<vmem>>, vector<16xf32>,
      %get3A_926 = vector.shape_cast %get3A_925 : vector<16xf32> to vector<16xf32>
      %mul3A_927 = arith.mulf %get3A_926, %select_n3A : vector<16xf32>
      %swap3A_928 = arith.constant 1008 : index
      %swap3A_929 = tpu.vector_load %arg4[%swap3A_928] {strides = array<i32>} : memref<1024xf32, #tpu.memory_space<vmem>>, vector<16xf32>,
      %swap3A_930 = vector.shape_cast %swap3A_929 : vector<16xf32> to vector<16xf32>
      %swap3A_931 = vector.shape_cast %mul3A_927 : vector<16xf32> to vector<16xf32>
      tpu.vector_store %arg4[%swap3A_928], %swap3A_931 {strides = array<i32>} : memref<1024xf32, #tpu.memory_space<vmem>>, vector<16xf32>,
      "tpu.region"() ({
        %run_scoped3A = tpu.sem_alloc : memref<!tpu.dma_semaphore, #tpu.memory_space<semaphore_mem>>
        %dma_start3A = arith.constant 0 : i32
        %dma_start3A_932 = tpu.memref_slice %arg3[%add3A, %dma_start3A] : memref<9x1024xf32, #tpu.memory_space<hbm>> -> memref<1x1024xf32, #tpu.memory_space<hbm>>
        %dma_start3A_933 = tpu.memref_squeeze %dma_start3A_932 : memref<1x1024xf32, #tpu.memory_space<hbm>> -> memref<1024xf32, #tpu.memory_space<hbm>>
        %dma_start3A_934 = arith.constant 0 : i32
        %dma_start3A_935 = tpu.memref_slice %arg3[%add3A, %dma_start3A_934] : memref<9x1024xf32, #tpu.memory_space<hbm>> -> memref<1x1024xf32, #tpu.memory_space<hbm>>
        %dma_start3A_936 = tpu.memref_squeeze %dma_start3A_935 : memref<1x1024xf32, #tpu.memory_space<hbm>> -> memref<1024xf32, #tpu.memory_space<hbm>>
        tpu.enqueue_dma source(%arg4 : memref<1024xf32, #tpu.memory_space<vmem>>) target(%dma_start3A_936 : memref<1024xf32, #tpu.memory_space<hbm>>) target_semaphore(%run_scoped3A : memref<!tpu.dma_semaphore, #tpu.memory_space<semaphore_mem>>)
        %dma_wait3A = arith.constant 0 : i32
        %dma_wait3A_937 = tpu.memref_slice %arg3[%add3A, %dma_wait3A] : memref<9x1024xf32, #tpu.memory_space<hbm>> -> memref<1x1024xf32, #tpu.memory_space<hbm>>
        %dma_wait3A_938 = tpu.memref_squeeze %dma_wait3A_937 : memref<1x1024xf32, #tpu.memory_space<hbm>> -> memref<1024xf32, #tpu.memory_space<hbm>>
        %dma_wait3A_939 = arith.constant 0 : i32
        %dma_wait3A_940 = tpu.memref_slice %arg3[%add3A, %dma_wait3A_939] : memref<9x1024xf32, #tpu.memory_space<hbm>> -> memref<1x1024xf32, #tpu.memory_space<hbm>>
        %dma_wait3A_941 = tpu.memref_squeeze %dma_wait3A_940 : memref<1x1024xf32, #tpu.memory_space<hbm>> -> memref<1024xf32, #tpu.memory_space<hbm>>
        tpu.wait_dma2 semaphore(%run_scoped3A : memref<!tpu.dma_semaphore, #tpu.memory_space<semaphore_mem>>) src(%arg4 : memref<1024xf32, #tpu.memory_space<vmem>>) dst(%dma_wait3A_941 : memref<1024xf32, #tpu.memory_space<hbm>>)
        tpu.yield
      }) : () -> ()
    } else {
    }
    return
  }
}

module attributes {stable_mosaic.version = 14 : i64} {
  func.func @_tc_add(%arg0: i32, %arg1: i32, %arg2: memref<1x1x2048x1024xf32, #tpu.memory_space<vmem>>, %arg3: memref<1x1x1024xf32, #tpu.memory_space<vmem>>, %arg4: memref<1x1x2048x1024xf32, #tpu.memory_space<vmem>>) attributes {dimension_semantics = [#tpu.dimension_semantics<arbitrary>, #tpu.dimension_semantics<arbitrary>], iteration_bounds = array<i64: 2, 9>, scalar_prefetch = 0 : i64, scratch_operands = 0 : i64, tpu.core_type = #tpu.core_type<tc>, window_params = [{transform_indices = @transform_0, window_bounds = array<i64: 1, 1, 2048, 1024>}, {transform_indices = @transform_1, window_bounds = array<i64: 1, 1, 1024>}, {transform_indices = @transform_2, window_bounds = array<i64: 1, 1, 2048, 1024>}]} {
    %get3A = arith.constant 0 : index
    %get3A_0 = arith.constant 0 : index
    %get3A_1 = arith.constant 0 : index
    %get3A_2 = arith.constant 0 : index
    %get3A_3 = vector.load %arg2[%get3A, %get3A_0, %get3A_1, %get3A_2] : memref<1x1x2048x1024xf32, #tpu.memory_space<vmem>>, vector<1x1x2048x1024xf32>
    %get3A_4 = arith.constant 0 : index
    %get3A_5 = arith.constant 0 : index
    %get3A_6 = arith.constant 0 : index
    %get3A_7 = vector.load %arg3[%get3A_4, %get3A_5, %get3A_6] : memref<1x1x1024xf32, #tpu.memory_space<vmem>>, vector<1x1x1024xf32>
    %broadcast_in_dim3A = vector.shape_cast %get3A_7 : vector<1x1x1024xf32> to vector<1x1x1x1024xf32>
    %add3A = vector.broadcast %broadcast_in_dim3A : vector<1x1x1x1024xf32> to vector<1x1x2048x1024xf32>
    %add3A_8 = arith.addf %get3A_3, %add3A : vector<1x1x2048x1024xf32>
    %swap3A = arith.constant 0 : index
    %swap3A_9 = arith.constant 0 : index
    %swap3A_10 = arith.constant 0 : index
    %swap3A_11 = arith.constant 0 : index
    %swap3A_12 = vector.load %arg4[%swap3A, %swap3A_9, %swap3A_10, %swap3A_11] : memref<1x1x2048x1024xf32, #tpu.memory_space<vmem>>, vector<1x1x2048x1024xf32>
    tpu.vector_store %arg4[%swap3A, %swap3A_9, %swap3A_10, %swap3A_11], %add3A_8 {strides = array<i32>} : memref<1x1x2048x1024xf32, #tpu.memory_space<vmem>>, vector<1x1x2048x1024xf32>,
    return
  }
  func.func @transform_0(%arg0: i32, %arg1: i32) -> (i32, i32, i32, i32) {
    %c0_i32 = arith.constant 0 : i32
    %c0_i32_0 = arith.constant 0 : i32
    %c0_i32_1 = arith.constant 0 : i32
    return %arg0, %arg1, %c0_i32, %c0_i32_0 : i32, i32, i32, i32
  }
  func.func @transform_1(%arg0: i32, %arg1: i32) -> (i32, i32, i32) {
    %c0_i32 = arith.constant 0 : i32
    %c0_i32_0 = arith.constant 0 : i32
    %c0_i32_1 = arith.constant 0 : i32
    return %arg1, %c0_i32, %c0_i32_0 : i32, i32, i32
  }
  func.func @transform_2(%arg0: i32, %arg1: i32) -> (i32, i32, i32, i32) {
    %c0_i32 = arith.constant 0 : i32
    %c0_i32_0 = arith.constant 0 : i32
    %c0_i32_1 = arith.constant 0 : i32
    return %arg0, %arg1, %c0_i32, %c0_i32_0 : i32, i32, i32, i32
  }
}

</mosaic_0001>

<sc_bundles>
// kernel: kernel.4.cloned.1.call-start
scs
__scs_entry_jumppad:
0x0: {  	(pc) =	sbr.rel $0x88, $3  }
0x1: {  	(tag) =	ssettag $0x0;
	lr =	simm.s32 $0x1  }
0x2: {  	[smem:$0x3F9F] =	sst lr;
	_ =	strace $0xD0000000  }
0x3: {  	_ = 	snop  }
0x4: {  	_ = 	snop  }
0x5: {  	_ = 	snop  }
0x6: {  	_ = 	snop  }
0x7: {  	_ = 	snop  }
__scs_overlays_trampoline_lowered:
0x8: {  	[smem:$0x3FAE] =	sst s0  }
0x9: {  	[smem:$0x3FAF] =	sst s1  }
0xa: {  	[smem:$0x3FB0] =	sst s2  }
0xb: {  	[smem:$0x3FB1] =	sst s3  }
0xc: {  	[smem:$0x3FB2] =	sst s4  }
0xd: {  	[smem:$0x3FB3] =	sst s5  }
0xe: {  	[smem:$0x3FB4] =	sst s6  }
0xf: {  	[smem:$0x3FB5] =	sst s7  }
0x10: {  	[smem:$0x3FB6] =	sst s8  }
0x11: {  	[smem:$0x3FB7] =	sst s9;
	s0 =	simm.s32 @!p0 $0x0  }
0x12: {  	s1 =	sld [smem:$0x3F9D];
	s0 =	simm.s32 @p0 $0x1  }
0x13: {  	[smem:$0x3FB8] =	sst s0;
	s0 =	simm.s32 @!p1 $0x0  }
0x14: {  	s2 =	sld [smem:$0x3F9C];
	s0 =	simm.s32 @p1 $0x1  }
0x15: {  	[smem:$0x3FB9] =	sst s0;
	s0 =	simm.s32 @!p2 $0x0  }
0x16: {  	s3 =	sld [smem:$0x3FDB];
	s0 =	simm.s32 @p2 $0x1  }
0x17: {  	s4 =	simm.s32 $0x1BF5;
	[smem:$0x3FBB] =	sst s0  }
0x18: {  	s0 =	sld [smem:$0x3F9E];
	_ =	swait.ge [sflag:s4], $0x0  }
0x19: {  	s7 =	sld [smem:$0x3F9F]  }
0x1a: {  	s8 =	sadd.s32 $0xFFFFE003, lr  }
0x1b: {  	s9 =	sadd.s32 $0xFFFFFEF7, lr;
	s5 =	simm.s32 $0xFFFFFFFF;
	p2 =	slt.u32 s8, $0xFFFFF086  }
0x1c: {  	p1 =	slt.u32 s9, $0xF7A;
	s5 =	simm.s32 @!p2 $0x0  }
0x1d: {  	s5 =	simm.s32 @p1 $0x1;
	p0 =	seq.s32 s7, s2  }
0x1e: {  	s7 =	smul.u32 @!p0 $0xF7A, s2;
	p2 =	seq.s32 @!p0 s5, $0x0  }
0x1f: {  	s9 =	smul.u32 $0xF7A, s1;
	s8 =	simm.s32 @!p0 $0x1BF5;
	p2 =	por !p2, p0  }
0x20: {  	[sflag:s8] =	ssyncset.s32 @!p0 $0xFFFFF086;
	s6 =	sadd.s32 @!p0 s3, s7;
	s7 =	simm.s32 @!p0 $0x108  }
0x21: {  	s3 =	sadd.s32 s3, s9;
	s6 =	sadd.s32 @!p0 $0x88, s6;
	s7 =	simm.s32 @p2 $0x1082  }
0x22: {  	[simem:s7], [sflag:s8] =	dma.local @!p0 [hbm:s6], $0xF7A  }
0x23: {  	s9 =	sor.u32 $0xD0000000, s2;
	s6 =	simm.s32 $0x108;
	_ =	swait.ge @!p0 [sflag:s8], $0x0  }
0x24: {  	s3 =	sadd.s32 $0x88, s3;
	s6 =	simm.s32 @!p1 $0x1082;
	[sflag:s4] =	ssyncset.s32 $0xFFFFF086  }
0x25: {  	[simem:s6], [sflag:s4] =	dma.local [hbm:s3], $0xF7A  }
0x26: {  	[smem:$0x3F9F] =	sst s1;
	(tag) =	ssettag s2;
	_ =	strace s9  }
0x27: {  	s1 =	sld [smem:$0x3FAF]  }
0x28: {  	s2 =	sld [smem:$0x3FB0]  }
0x29: {  	s4 =	sld [smem:$0x3FB2]  }
0x2a: {  	p0 =	seq.s32 s5, $0x0;
	s5 =	sld [smem:$0x3FB3]  }
0x2b: {  	s6 =	sld [smem:$0x3FB4]  }
0x2c: {  	s7 =	sld [smem:$0x3FB5]  }
0x2d: {  	s3 =	simm.s32 $0x108;
	s8 =	sld [smem:$0x3FB6]  }
0x2e: {  	s3 =	simm.s32 @!p0 $0x1082;
	s9 =	sld [smem:$0x3FB7]  }
0x2f: {  	lr =	sadd.s32 s0, s3;
	s0 =	sld [smem:$0x3FAE]  }
0x30: {  	s3 =	sld [smem:$0x3FB1]  }
0x31: {  	[smem:$0x3FBA] =	sst s10  }
0x32: {  	s10 =	sld [smem:$0x3FB8];
	_ =	sdelay $0x3  }
0x33: {  	p0 =	seq.s32 s10, $0x1;
	s10 =	sld [smem:$0x3FBA];
	_ =	sdelay $0x3  }
0x34: {  	[smem:$0x3FBA] =	sst s10  }
0x35: {  	s10 =	sld [smem:$0x3FB9];
	_ =	sdelay $0x3  }
0x36: {  	p1 =	seq.s32 s10, $0x1;
	s10 =	sld [smem:$0x3FBA];
	_ =	sdelay $0x3  }
0x37: {  	[smem:$0x3FBA] =	sst s10  }
0x38: {  	s10 =	sld [smem:$0x3FBB]  }
0x39: {  	_ = 	snop;
	(pc) =	sbr.ind lr, $3  }
0x3a: {  	_ = 	snop  }
0x3b: {  	_ = 	snop  }
0x3c: {  	p2 =	seq.s32 s10, $0x1;
	s10 =	sld [smem:$0x3FBA]  }
0x3d: {  	_ =	shalt  }
0x3e: {  	_ =	shalt  }
0x3f: {  	_ =	shalt  }
0x40: {  	_ =	shalt  }
0x41: {  	_ =	shalt  }
0x42: {  	_ =	shalt  }
0x43: {  	_ =	shalt  }
0x44: {  	_ =	shalt  }
0x45: {  	_ =	shalt  }
0x46: {  	_ =	shalt  }
0x47: {  	_ =	shalt  }
0x48: {  	_ =	shalt  }
0x49: {  	_ =	shalt  }
0x4a: {  	_ =	shalt  }
0x4b: {  	_ =	shalt  }
0x4c: {  	_ =	shalt  }
0x4d: {  	_ =	shalt  }
0x4e: {  	_ =	shalt  }
0x4f: {  	_ =	shalt  }
0x50: {  	_ =	shalt  }
0x51: {  	_ =	shalt  }
0x52: {  	_ =	shalt  }
0x53: {  	_ =	shalt  }
0x54: {  	_ =	shalt  }
0x55: {  	_ =	shalt  }
0x56: {  	_ =	shalt  }
0x57: {  	_ =	shalt  }
0x58: {  	_ =	shalt  }
0x59: {  	_ =	shalt  }
0x5a: {  	_ =	shalt  }
0x5b: {  	_ =	shalt  }
0x5c: {  	_ =	shalt  }
0x5d: {  	_ =	shalt  }
0x5e: {  	_ =	shalt  }
0x5f: {  	_ =	shalt  }
0x60: {  	_ =	shalt  }
0x61: {  	_ =	shalt  }
0x62: {  	_ =	shalt  }
0x63: {  	_ =	shalt  }
0x64: {  	_ =	shalt  }
0x65: {  	_ =	shalt  }
0x66: {  	_ =	shalt  }
0x67: {  	_ =	shalt  }
0x68: {  	_ =	shalt  }
0x69: {  	_ =	shalt  }
0x6a: {  	_ =	shalt  }
0x6b: {  	_ =	shalt  }
0x6c: {  	_ =	shalt  }
0x6d: {  	_ =	shalt  }
0x6e: {  	_ =	shalt  }
0x6f: {  	_ =	shalt  }
0x70: {  	_ =	shalt  }
0x71: {  	_ =	shalt  }
0x72: {  	_ =	shalt  }
0x73: {  	_ =	shalt  }
0x74: {  	_ =	shalt  }
0x75: {  	_ =	shalt  }
0x76: {  	_ =	shalt  }
0x77: {  	_ =	shalt  }
0x78: {  	_ =	shalt  }
0x79: {  	_ =	shalt  }
0x7a: {  	_ =	shalt  }
0x7b: {  	_ =	shalt  }
0x7c: {  	_ =	shalt  }
0x7d: {  	_ =	shalt  }
0x7e: {  	_ =	shalt  }
0x7f: {  	_ =	shalt  }
0x80: {  	_ =	shalt  }
0x81: {  	_ =	shalt  }
0x82: {  	_ =	shalt  }
0x83: {  	_ =	shalt  }
0x84: {  	_ =	shalt  }
0x85: {  	_ =	shalt  }
0x86: {  	_ =	shalt  }
0x87: {  	_ =	shalt  }
.Lfunc_end0:
.L_simem_size_0:
called_computation_lowered:
.L_overlay_start_0:
0x88: {  	s2 =	sld [smem:$0x3FD9]  }
0x89: {  	s3 =	sld [smem:$0x3FFE];
	_ =	sdelay $0x1  }
0x8a: {  	s1 =	srdreg.scid  }
0x8b: {  	s0 =	sand.u32 $0x1, s1  }
0x8c: {  	s18 =	sshll.u32 s0, $0xA;
	s2 =	sadd.s32 s3, s2  }
0x8d: {  	s2 =	sadd.s32 s2, s18  }
0x8e: {  	[smem:$0x3FC6] =	sst s2  }
0x8f: {  	_ = 	snop  }
0x90: {  	s2 =	sld [smem:$0x3FC8]  }
0x91: {  	s19 =	sld [smem:$0x3FD0];
	(tm) =	ssettm $0x1  }
0x92: {  	s4 =	sld [smem:$0x3FFB];
	_ =	sdelay $0x3  }
0x93: {  	_ =	strace s4  }
0x94: {  	s4 =	sld [smem:$0x3FFC];
	_ =	sdelay $0x3  }
0x95: {  	_ =	strace s4  }
0x96: {  	s4 =	sld [smem:$0x3FFD];
	_ =	sdelay $0x3  }
0x97: {  	_ =	strace s4  }
0x98: {  	_ =	strace $0x8FFFFFFF  }
0x99: {  	s20 =	sld [smem:$0x3FDB];
	_ =	sdelay $0x1  }
0x9a: {  	s5 =	simm.s32 $_scs_section_size  }
0x9b: {  	s6 =	simm.s32 $_size__tile_overlayer_lowered;
	s7 =	simm.s32 $_tile_overlayer_lowered  }
0x9c: {  	s23 =	simm.s32 $0x1BFF;
	s22 =	sshll.u32 s7, $0x1;
	s4 =	sadd.s32 s5, s20  }
0x9d: {  	s8 =	simm.s32 $0x0;
	s21 =	sshll.u32 s6, $0x1;
	s6 =	sadd.s32 s22, s4  }
0x9e: {  	[timem:s8], [sflag:s23] =	dma.local [hbm:s6], s21  }
0x9f: {  	_ =	swait.ge [sflag:s23], s21  }
0xa0: {  	s5 =	ssub.s32 $0x0, s21;
	[sflag:s23] =	ssyncset.done $0x0  }
0xa1: {  	[sflag:s23] =	ssyncadd.s32 s5;
	_ =	sdelay $0x1  }
0xa2: {  	s24 =	simm.s32 $0x1B8B  }
0xa3: {  	_ =	swait.ge [sflag:s24], $0x1  }
0xa4: {  	[sflag:s24] =	ssyncset.done $0x0  }
0xa5: {  	s25 =	simm.s32 $0x1B8E;
	[sflag:s24] =	ssyncadd.s32 $0xFFFFFFFF  }
0xa6: {  	s26 =	simm.s32 $execute0_lowered;
	[smem:$0x3FD2] =	sst s25  }
0xa7: {  	s5 =	sshll.u32 s26, $0x1;
	_ =	strace $0x80000046;
	[dreg:$0x1] =	wrdreg $0xFFFFFFFF  }
0xa8: {  	s28 =	simm.s32 $_size_execute0_lowered;
	s4 =	sadd.s32 s4, s5;
	[dreg:$0x0] =	wrdreg $0x0  }
0xa9: {  	s5 =	sshll.u32 s28, $0x1;
	[dreg:$0x2] =	wrdreg s4  }
0xaa: {  	[dreg:$0x3] =	wrdreg s5  }
0xab: {  	[dreg:$0x4] =	wrdreg $0xC0  }
0xac: {  	_ =	task [dreg:s8], $0x5FFFF  }
0xad: {  	[dreg:$0x1] =	wrdreg $0xFFFFFFFF  }
0xae: {  	[dreg:$0x0] =	wrdreg $0x60  }
0xaf: {  	[dreg:$0x2] =	wrdreg s2  }
0xb0: {  	[dreg:$0x3] =	wrdreg s19  }
0xb1: {  	[dreg:$0x4] =	wrdreg $0x9  }
0xb2: {  	_ =	task.clear_ibuf [dreg:s8], $0x5FFFF;
	_ =	strace $0x90000046  }
0xb3: {  	s29 =	simm.s32 $0x9;
	_ =	strace $0x80000048  }
0xb4: {  	_ =	swait.ge [sflag:s29], $0x1  }
0xb5: {  	[sflag:s29] =	ssyncadd.s32 $0xFFFFFFFF  }
0xb6: {  	_ =	strace $0x90000048  }
0xb7: {  	_ =	sfence  }
0xb8: {  	s30 =	sld [smem:$0x0];
	_ =	sdelay $0x2  }
0xb9: {  	s31 =	sshll.u32 s1, $0xD;
	s1 =	sshrl.u32 s1, $0x2  }
0xba: {  	s3 =	sand.u32 $0x4000, s31;
	s1 =	sadd.s32 s1, s30  }
0xbb: {  	s0 =	sor.u32 s3, s0;
	s1 =	sshll.u32 s1, $0x11  }
0xbc: {  	s0 =	sor.u32 s1, s0  }
0xbd: {  	s0 =	sadd.s32 $0x8F2B, s0  }
0xbe: {  	[sflag:s0] =	ssyncadd.remote.s32 $0x1  }
0xbf: {  	_ =	sfence.sel $0xFFFF  }
0xc0: {  	[dreg:$0x0] =	wrdreg $0xFFFFFFFF;
	(pc) =	sbr.abs _section_cstart, $3  }
0xc1: {  	[dreg:$0x1] =	wrdreg $0xFFFFFFFF  }
0xc2: {  	_ =	task.clear_ibuf [dreg:s8], $0x2FFFF;
	_ =	strace $0x9FFFFFFF  }
0xc3: {  	(tm) =	ssettm $0x7FFFFFFF  }
tec
execute0_lowered:
.L_overlay_start_1:
0x0: {  	(tag) =	ssettag $0x1  }
0x1: {  	s1 =	srdreg.scid;
	s0 =	stileid.u32  }
0x2: {  	s5 =	sand.u32 $0x1, s1;
	s6 =	sshll.u32 s0, $0x1  }
0x3: {  	s6 =	sor.u32 s5, s6  }
0x4: {  	p0 =	sgt.u32 s6, $0x8  }
.Ltmp0:
0x5: {  	_ = 	snop;
	(pc) =	sbr.rel @p0 .LBB2_3-.Ltmp0, $4  }
0x6: {  	s3 =	rddreg [dreg:$0x0]  }
0x7: {  	s4 =	rddreg [dreg:$0x1];
	s2 =	simm.s32 $0x0  }
0x8: {  	[smem:$0x7FF] =	sst s2  }
0x9: {  	s1 =	rddreg [dreg:$0x2];
	_ =	strace $0x80000047  }
0xa: {  	s7 =	sshll.u32 s0, $0x8;
	s6 =	sshll.u32 s6, $0x4  }
0xb: {  	s5 =	ssub.s32 $0x2, s5;
	s6 =	sor.u32 s7, s6  }
0xc: {  	s30 =	sshrl.u32 s5, $0x1;
	s6 =	sand.u32 $0xC70, s6  }
0xd: {  	s31 =	ssub.s32 s5, s30;
	s5 =	simm.s32 $0x400;
	s4 =	sadd.s32 s4, s6  }
0xe: {  	s3 =	sadd.s32 s3, s6;
	s6 =	simm.s32 $0x1;
	[dreg:$0x4] =	wrdreg s4  }
0xf: {  	[dreg:$0x3] =	wrdreg s3;
	s3 =	smax.u32 s31, $0x1;
	s4 =	simm.s32 $0x80  }
.LBB2_2:
0x10: {  	s7 =	rddreg [dreg:$0x3]  }
0x11: {  	[tilespmem:s2], [sflag:$0x1] =	stream.strided.gather [hbm4b:s7+s4], $0x400, s5, s4, $0x38;
	[tilespmem:$0x400] =	vst v63  }
0x12: {  	_ =	swait.ge [sflag:s6], $0x400  }
0x13: {  	[sflag:s6] =	ssyncset.done $0x0  }
0x14: {  	[sflag:s6] =	ssyncadd.s32 $0xFFFFFC00  }
0x15: {  	v3 =	vld [tilespmem:$0x0]  }
0x16: {  	v4 =	vld [tilespmem:$0x10];
	_ =	sdelay $0x1  }
0x17: {  	v1 =	vld [tilespmem:$0x20];
	_ =	sdelay $0x1  }
0x18: {  	v0 =	vld [tilespmem:$0x30]  }
0x19: {  	v5 =	vmul.f32 v3, v3;
	v6 =	vmul.f32 v4, v4  }
0x1a: {  	v2 =	vld [tilespmem:$0x40]  }
0x1b: {  	v7 =	vmul.f32 v1, v1;
	v6 =	vadd.f32 v6, v5  }
0x1c: {  	v5 =	vld [tilespmem:$0x50]  }
0x1d: {  	v8 =	vmul.f32 v0, v0;
	v7 =	vadd.f32 v7, v6  }
0x1e: {  	v6 =	vld [tilespmem:$0x60]  }
0x1f: {  	v9 =	vmul.f32 v2, v2;
	v8 =	vadd.f32 v8, v7  }
0x20: {  	v7 =	vld [tilespmem:$0x70]  }
0x21: {  	v10 =	vmul.f32 v5, v5;
	v9 =	vadd.f32 v9, v8  }
0x22: {  	v8 =	vld [tilespmem:$0x80]  }
0x23: {  	v11 =	vmul.f32 v6, v6;
	v10 =	vadd.f32 v10, v9  }
0x24: {  	v9 =	vld [tilespmem:$0x90]  }
0x25: {  	v12 =	vmul.f32 v7, v7;
	v11 =	vadd.f32 v11, v10  }
0x26: {  	v10 =	vld [tilespmem:$0xA0]  }
0x27: {  	v13 =	vmul.f32 v8, v8;
	v12 =	vadd.f32 v12, v11  }
0x28: {  	v11 =	vld [tilespmem:$0xB0]  }
0x29: {  	v14 =	vmul.f32 v9, v9;
	v13 =	vadd.f32 v13, v12  }
0x2a: {  	v12 =	vld [tilespmem:$0xC0]  }
0x2b: {  	v15 =	vmul.f32 v10, v10;
	v14 =	vadd.f32 v14, v13  }
0x2c: {  	v13 =	vld [tilespmem:$0xD0]  }
0x2d: {  	v16 =	vmul.f32 v11, v11;
	v15 =	vadd.f32 v15, v14  }
0x2e: {  	v14 =	vld [tilespmem:$0xE0]  }
0x2f: {  	v17 =	vmul.f32 v12, v12;
	v16 =	vadd.f32 v16, v15  }
0x30: {  	v15 =	vld [tilespmem:$0xF0]  }
0x31: {  	v18 =	vmul.f32 v13, v13;
	v17 =	vadd.f32 v17, v16  }
0x32: {  	v16 =	vld [tilespmem:$0x100]  }
0x33: {  	v19 =	vmul.f32 v14, v14;
	v18 =	vadd.f32 v18, v17  }
0x34: {  	v17 =	vld [tilespmem:$0x110]  }
0x35: {  	v20 =	vmul.f32 v15, v15;
	v19 =	vadd.f32 v19, v18  }
0x36: {  	v18 =	vld [tilespmem:$0x120]  }
0x37: {  	v21 =	vmul.f32 v16, v16;
	v20 =	vadd.f32 v20, v19  }
0x38: {  	v19 =	vld [tilespmem:$0x130]  }
0x39: {  	v22 =	vmul.f32 v17, v17;
	v21 =	vadd.f32 v21, v20  }
0x3a: {  	v20 =	vld [tilespmem:$0x140]  }
0x3b: {  	v23 =	vmul.f32 v18, v18;
	v22 =	vadd.f32 v22, v21  }
0x3c: {  	v21 =	vld [tilespmem:$0x150]  }
0x3d: {  	v24 =	vmul.f32 v19, v19;
	v23 =	vadd.f32 v23, v22  }
0x3e: {  	v22 =	vld [tilespmem:$0x160]  }
0x3f: {  	v25 =	vmul.f32 v20, v20;
	v24 =	vadd.f32 v24, v23  }
0x40: {  	v23 =	vld [tilespmem:$0x170]  }
0x41: {  	v26 =	vmul.f32 v21, v21;
	v25 =	vadd.f32 v25, v24  }
0x42: {  	v24 =	vld [tilespmem:$0x180]  }
0x43: {  	v27 =	vmul.f32 v22, v22;
	v26 =	vadd.f32 v26, v25  }
0x44: {  	v25 =	vld [tilespmem:$0x190]  }
0x45: {  	v28 =	vmul.f32 v23, v23;
	v27 =	vadd.f32 v27, v26  }
0x46: {  	v26 =	vld [tilespmem:$0x1A0]  }
0x47: {  	v29 =	vmul.f32 v24, v24;
	v28 =	vadd.f32 v28, v27  }
0x48: {  	v27 =	vld [tilespmem:$0x1B0]  }
0x49: {  	v30 =	vmul.f32 v25, v25;
	v29 =	vadd.f32 v29, v28  }
0x4a: {  	v28 =	vld [tilespmem:$0x1C0]  }
0x4b: {  	v31 =	vmul.f32 v26, v26;
	v30 =	vadd.f32 v30, v29  }
0x4c: {  	v29 =	vld [tilespmem:$0x1D0]  }
0x4d: {  	v32 =	vmul.f32 v27, v27;
	v31 =	vadd.f32 v31, v30  }
0x4e: {  	v30 =	vld [tilespmem:$0x1E0]  }
0x4f: {  	v33 =	vmul.f32 v28, v28;
	v32 =	vadd.f32 v32, v31  }
0x50: {  	v31 =	vld [tilespmem:$0x1F0]  }
0x51: {  	v34 =	vmul.f32 v29, v29;
	v33 =	vadd.f32 v33, v32  }
0x52: {  	v32 =	vld [tilespmem:$0x200]  }
0x53: {  	v35 =	vmul.f32 v30, v30;
	v34 =	vadd.f32 v34, v33  }
0x54: {  	v33 =	vld [tilespmem:$0x210]  }
0x55: {  	v36 =	vmul.f32 v31, v31;
	v35 =	vadd.f32 v35, v34  }
0x56: {  	v34 =	vld [tilespmem:$0x220]  }
0x57: {  	v37 =	vmul.f32 v32, v32;
	v36 =	vadd.f32 v36, v35  }
0x58: {  	v35 =	vld [tilespmem:$0x230]  }
0x59: {  	v38 =	vmul.f32 v33, v33;
	v37 =	vadd.f32 v37, v36  }
0x5a: {  	v36 =	vld [tilespmem:$0x240]  }
0x5b: {  	v39 =	vmul.f32 v34, v34;
	v38 =	vadd.f32 v38, v37  }
0x5c: {  	v37 =	vld [tilespmem:$0x250]  }
0x5d: {  	v40 =	vmul.f32 v35, v35;
	v39 =	vadd.f32 v39, v38  }
0x5e: {  	v38 =	vld [tilespmem:$0x260]  }
0x5f: {  	v41 =	vmul.f32 v36, v36;
	v40 =	vadd.f32 v40, v39  }
0x60: {  	v39 =	vld [tilespmem:$0x270]  }
0x61: {  	v42 =	vmul.f32 v37, v37;
	v41 =	vadd.f32 v41, v40  }
0x62: {  	v40 =	vld [tilespmem:$0x280]  }
0x63: {  	v43 =	vmul.f32 v38, v38;
	v42 =	vadd.f32 v42, v41  }
0x64: {  	v41 =	vld [tilespmem:$0x290]  }
0x65: {  	v44 =	vmul.f32 v39, v39;
	v43 =	vadd.f32 v43, v42  }
0x66: {  	v42 =	vld [tilespmem:$0x2A0]  }
0x67: {  	v45 =	vmul.f32 v40, v40;
	v44 =	vadd.f32 v44, v43  }
0x68: {  	v43 =	vld [tilespmem:$0x2B0]  }
0x69: {  	v46 =	vmul.f32 v41, v41;
	v45 =	vadd.f32 v45, v44  }
0x6a: {  	v44 =	vld [tilespmem:$0x2C0]  }
0x6b: {  	v47 =	vmul.f32 v42, v42;
	v46 =	vadd.f32 v46, v45  }
0x6c: {  	v45 =	vld [tilespmem:$0x2D0]  }
0x6d: {  	v48 =	vmul.f32 v43, v43;
	v47 =	vadd.f32 v47, v46  }
0x6e: {  	v46 =	vld [tilespmem:$0x2E0]  }
0x6f: {  	v49 =	vmul.f32 v44, v44;
	v48 =	vadd.f32 v48, v47  }
0x70: {  	v47 =	vld [tilespmem:$0x2F0]  }
0x71: {  	v50 =	vmul.f32 v45, v45;
	v49 =	vadd.f32 v49, v48  }
0x72: {  	v48 =	vld [tilespmem:$0x300]  }
0x73: {  	v51 =	vmul.f32 v46, v46;
	v50 =	vadd.f32 v50, v49  }
0x74: {  	v49 =	vld [tilespmem:$0x310]  }
0x75: {  	v52 =	vmul.f32 v47, v47;
	v51 =	vadd.f32 v51, v50  }
0x76: {  	v50 =	vld [tilespmem:$0x320]  }
0x77: {  	v53 =	vmul.f32 v48, v48;
	v52 =	vadd.f32 v52, v51  }
0x78: {  	v51 =	vld [tilespmem:$0x330]  }
0x79: {  	v54 =	vmul.f32 v49, v49;
	v53 =	vadd.f32 v53, v52  }
0x7a: {  	v52 =	vld [tilespmem:$0x340]  }
0x7b: {  	v55 =	vmul.f32 v50, v50;
	v54 =	vadd.f32 v54, v53  }
0x7c: {  	v53 =	vld [tilespmem:$0x350]  }
0x7d: {  	v56 =	vmul.f32 v51, v51;
	v55 =	vadd.f32 v55, v54  }
0x7e: {  	v54 =	vld [tilespmem:$0x360]  }
0x7f: {  	v57 =	vmul.f32 v52, v52;
	v56 =	vadd.f32 v56, v55  }
0x80: {  	v55 =	vld [tilespmem:$0x370]  }
0x81: {  	v58 =	vmul.f32 v53, v53;
	v57 =	vadd.f32 v57, v56  }
0x82: {  	v56 =	vld [tilespmem:$0x380]  }
0x83: {  	v59 =	vmul.f32 v54, v54;
	v58 =	vadd.f32 v58, v57  }
0x84: {  	v57 =	vld [tilespmem:$0x390]  }
0x85: {  	v60 =	vmul.f32 v55, v55;
	v59 =	vadd.f32 v59, v58  }
0x86: {  	v58 =	vld [tilespmem:$0x3A0]  }
0x87: {  	v61 =	vmul.f32 v56, v56;
	v60 =	vadd.f32 v60, v59  }
0x88: {  	v59 =	vld [tilespmem:$0x3B0]  }
0x89: {  	v62 =	vmul.f32 v57, v57;
	v61 =	vadd.f32 v61, v60  }
0x8a: {  	v60 =	vld [tilespmem:$0x3C0]  }
0x8b: {  	v63 =	vmul.f32 v58, v58;
	v62 =	vadd.f32 v62, v61  }
0x8c: {  	v61 =	vld [tilespmem:$0x3D0]  }
0x8d: {  	[tilespmem:$0x1FFE0] =	vst v0;
	v0 =	vmul.f32 v59, v59;
	v63 =	vadd.f32 v63, v62  }
0x8e: {  	v62 =	vld [tilespmem:$0x3E0]  }
0x8f: {  	[tilespmem:$0x1FFD0] =	vst v1;
	v1 =	vadd.f32 v0, v63;
	v0 =	vmul.f32 v60, v60  }
0x90: {  	v63 =	vld [tilespmem:$0x3F0]  }
0x91: {  	v0 =	vadd.f32 v0, v1;
	v1 =	vmul.f32 v61, v61;
	_ =	sdelay $0x1  }
0x92: {  	v0 =	vadd.f32 v1, v0;
	v1 =	vmul.f32 v62, v62;
	_ =	sdelay $0x1  }
0x93: {  	v0 =	vadd.f32 v1, v0;
	v1 =	vmul.f32 v63, v63;
	_ =	sdelay $0x1  }
0x94: {  	v0 =	vadd.f32 v1, v0;
	_ =	sdelay $0x1  }
0x95: {  	(v2sf) =	vpush v0, $0x0  }
0x96: {  	(v2sf) =	vpush v0, $0x1;
	_ =	sdelay $0x1  }
0x97: {  	(v2sf) =	vpush v0, $0x2;
	_ =	sdelay $0x1  }
0x98: {  	(v2sf) =	vpush v0, $0x3;
	_ =	sdelay $0x1  }
0x99: {  	(v2sf) =	vpush v0, $0x4;
	_ =	sdelay $0x1  }
0x9a: {  	(v2sf) =	vpush v0, $0x5;
	_ =	sdelay $0x1  }
0x9b: {  	(v2sf) =	vpush v0, $0x6;
	_ =	sdelay $0x1  }
0x9c: {  	(v2sf) =	vpush v0, $0x7;
	_ =	sdelay $0x1  }
0x9d: {  	s15 =	spop (v2sf);
	(v2sf) =	vpush v0, $0x8  }
0x9e: {  	s8 =	spop (v2sf)  }
0x9f: {  	(v2sf) =	vpush v0, $0x9;
	s7 =	sadd.f32 s8, s15  }
0xa0: {  	s16 =	spop (v2sf)  }
0xa1: {  	(v2sf) =	vpush v0, $0xA;
	s7 =	sadd.f32 s7, s16  }
0xa2: {  	s17 =	spop (v2sf)  }
0xa3: {  	(v2sf) =	vpush v0, $0xB;
	s7 =	sadd.f32 s7, s17  }
0xa4: {  	s18 =	spop (v2sf)  }
0xa5: {  	(v2sf) =	vpush v0, $0xC;
	s7 =	sadd.f32 s7, s18  }
0xa6: {  	s19 =	spop (v2sf)  }
0xa7: {  	(v2sf) =	vpush v0, $0xD;
	s7 =	sadd.f32 s7, s19  }
0xa8: {  	s20 =	spop (v2sf)  }
0xa9: {  	(v2sf) =	vpush v0, $0xE;
	s7 =	sadd.f32 s7, s20  }
0xaa: {  	s21 =	spop (v2sf)  }
0xab: {  	(v2sf) =	vpush v0, $0xF;
	s7 =	sadd.f32 s7, s21  }
0xac: {  	s22 =	spop (v2sf)  }
0xad: {  	s7 =	sadd.f32 s7, s22  }
0xae: {  	s23 =	spop (v2sf)  }
0xaf: {  	s7 =	sadd.f32 s7, s23  }
0xb0: {  	s24 =	spop (v2sf)  }
0xb1: {  	s7 =	sadd.f32 s7, s24  }
0xb2: {  	s25 =	spop (v2sf)  }
0xb3: {  	s7 =	sadd.f32 s7, s25  }
0xb4: {  	s26 =	spop (v2sf)  }
0xb5: {  	s7 =	sadd.f32 s7, s26  }
0xb6: {  	s28 =	spop (v2sf)  }
0xb7: {  	s7 =	sadd.f32 s7, s28  }
0xb8: {  	s29 =	spop (v2sf)  }
0xb9: {  	s7 =	sadd.f32 s7, s29  }
0xba: {  	s30 =	spop (v2sf)  }
0xbb: {  	s7 =	sadd.f32 s7, s30;
	_ =	sdelay $0x1  }
0xbc: {  	v0 =	vmov s7  }
0xbd: {  	v1 =	vshra.s32 v0, $0x1;
	v0 =	vmul.f32 $5.000000000e-01, v0  }
0xbe: {  	v1 =	vsub.s32 $0x5F3759DF, v1  }
0xbf: {  	[tilespmem:$0x1FFF0] =	vst v2;
	v2 =	vmul.f32 v1, v0;
	_ =	sdelay $0x1  }
0xc0: {  	v2 =	vmul.f32 v1, v2;
	_ =	sdelay $0x1  }
0xc1: {  	v2 =	vsub.f32 $1.500000000e+00, v2;
	_ =	sdelay $0x1  }
0xc2: {  	v1 =	vmul.f32 v1, v2;
	_ =	sdelay $0x1  }
0xc3: {  	v2 =	vmul.f32 v1, v0;
	_ =	sdelay $0x1  }
0xc4: {  	v2 =	vmul.f32 v2, v1;
	_ =	sdelay $0x1  }
0xc5: {  	v2 =	vsub.f32 $1.500000000e+00, v2;
	_ =	sdelay $0x1  }
0xc6: {  	v1 =	vmul.f32 v2, v1;
	_ =	sdelay $0x1  }
0xc7: {  	v2 =	vmul.f32 v1, v0;
	_ =	sdelay $0x1  }
0xc8: {  	v2 =	vmul.f32 v2, v1;
	_ =	sdelay $0x1  }
0xc9: {  	v2 =	vsub.f32 $1.500000000e+00, v2;
	_ =	sdelay $0x1  }
0xca: {  	v1 =	vmul.f32 v2, v1;
	_ =	sdelay $0x1  }
0xcb: {  	v0 =	vmul.f32 v1, v0;
	_ =	sdelay $0x1  }
0xcc: {  	v0 =	vmul.f32 v0, v1;
	_ =	sdelay $0x1  }
0xcd: {  	v0 =	vsub.f32 $1.500000000e+00, v0;
	_ =	sdelay $0x1  }
0xce: {  	v0 =	vmul.f32 v0, v1;
	_ =	sdelay $0x1  }
0xcf: {  	v1 =	vmul.f32 $-1.000000010e-07, v0;
	_ =	sdelay $0x1  }
0xd0: {  	v1 =	vadd.f32 $1.000000000e+00, v1  }
0xd1: {  	v2 =	vmul.f32 s7, v0  }
0xd2: {  	v0 =	vmul.f32 v1, v0  }
0xd3: {  	vm0 =	vgt.f32 v2, $1.000000000e+00  }
0xd4: {  	v0 =	vnsel vm0, $0x3F800000, v0  }
0xd5: {  	v1 =	vmul.f32 v0, v3  }
0xd6: {  	v2 =	vmul.f32 v0, v4  }
0xd7: {  	v5 =	vmul.f32 v0, v5;
	[tilespmem:$0x0] =	vst v1  }
0xd8: {  	v6 =	vmul.f32 v0, v6;
	[tilespmem:$0x10] =	vst v2  }
0xd9: {  	v7 =	vmul.f32 v0, v7;
	[tilespmem:$0x50] =	vst v5  }
0xda: {  	v8 =	vmul.f32 v0, v8;
	[tilespmem:$0x60] =	vst v6  }
0xdb: {  	v9 =	vmul.f32 v0, v9;
	[tilespmem:$0x70] =	vst v7  }
0xdc: {  	v10 =	vmul.f32 v0, v10;
	[tilespmem:$0x80] =	vst v8  }
0xdd: {  	v11 =	vmul.f32 v0, v11;
	[tilespmem:$0x90] =	vst v9  }
0xde: {  	v12 =	vmul.f32 v0, v12;
	[tilespmem:$0xA0] =	vst v10  }
0xdf: {  	v13 =	vmul.f32 v0, v13;
	[tilespmem:$0xB0] =	vst v11  }
0xe0: {  	v14 =	vmul.f32 v0, v14;
	[tilespmem:$0xC0] =	vst v12  }
0xe1: {  	v15 =	vmul.f32 v0, v15;
	[tilespmem:$0xD0] =	vst v13  }
0xe2: {  	v16 =	vmul.f32 v0, v16;
	[tilespmem:$0xE0] =	vst v14  }
0xe3: {  	v17 =	vmul.f32 v0, v17;
	[tilespmem:$0xF0] =	vst v15  }
0xe4: {  	v18 =	vmul.f32 v0, v18;
	[tilespmem:$0x100] =	vst v16  }
0xe5: {  	v19 =	vmul.f32 v0, v19;
	[tilespmem:$0x110] =	vst v17  }
0xe6: {  	v20 =	vmul.f32 v0, v20;
	[tilespmem:$0x120] =	vst v18  }
0xe7: {  	v21 =	vmul.f32 v0, v21;
	[tilespmem:$0x130] =	vst v19  }
0xe8: {  	v22 =	vmul.f32 v0, v22;
	[tilespmem:$0x140] =	vst v20  }
0xe9: {  	v23 =	vmul.f32 v0, v23;
	[tilespmem:$0x150] =	vst v21  }
0xea: {  	v24 =	vmul.f32 v0, v24;
	[tilespmem:$0x160] =	vst v22  }
0xeb: {  	v25 =	vmul.f32 v0, v25;
	[tilespmem:$0x170] =	vst v23  }
0xec: {  	v26 =	vmul.f32 v0, v26;
	[tilespmem:$0x180] =	vst v24  }
0xed: {  	v27 =	vmul.f32 v0, v27;
	[tilespmem:$0x190] =	vst v25  }
0xee: {  	v28 =	vmul.f32 v0, v28;
	[tilespmem:$0x1A0] =	vst v26  }
0xef: {  	v29 =	vmul.f32 v0, v29;
	[tilespmem:$0x1B0] =	vst v27  }
0xf0: {  	v30 =	vmul.f32 v0, v30;
	[tilespmem:$0x1C0] =	vst v28  }
0xf1: {  	v31 =	vmul.f32 v0, v31;
	[tilespmem:$0x1D0] =	vst v29  }
0xf2: {  	v32 =	vmul.f32 v0, v32;
	[tilespmem:$0x1E0] =	vst v30  }
0xf3: {  	v33 =	vmul.f32 v0, v33;
	[tilespmem:$0x1F0] =	vst v31  }
0xf4: {  	v34 =	vmul.f32 v0, v34;
	[tilespmem:$0x200] =	vst v32  }
0xf5: {  	v35 =	vmul.f32 v0, v35;
	[tilespmem:$0x210] =	vst v33  }
0xf6: {  	v36 =	vmul.f32 v0, v36;
	[tilespmem:$0x220] =	vst v34  }
0xf7: {  	v37 =	vmul.f32 v0, v37;
	[tilespmem:$0x230] =	vst v35  }
0xf8: {  	v38 =	vmul.f32 v0, v38;
	[tilespmem:$0x240] =	vst v36  }
0xf9: {  	v39 =	vmul.f32 v0, v39;
	[tilespmem:$0x250] =	vst v37  }
0xfa: {  	v40 =	vmul.f32 v0, v40;
	[tilespmem:$0x260] =	vst v38  }
0xfb: {  	v41 =	vmul.f32 v0, v41;
	[tilespmem:$0x270] =	vst v39  }
0xfc: {  	v42 =	vmul.f32 v0, v42;
	[tilespmem:$0x280] =	vst v40  }
0xfd: {  	v43 =	vmul.f32 v0, v43;
	[tilespmem:$0x290] =	vst v41  }
0xfe: {  	v44 =	vmul.f32 v0, v44;
	[tilespmem:$0x2A0] =	vst v42  }
0xff: {  	v45 =	vmul.f32 v0, v45;
	[tilespmem:$0x2B0] =	vst v43  }
0x100: {  	v46 =	vmul.f32 v0, v46;
	[tilespmem:$0x2C0] =	vst v44  }
0x101: {  	v47 =	vmul.f32 v0, v47;
	[tilespmem:$0x2D0] =	vst v45  }
0x102: {  	v48 =	vmul.f32 v0, v48;
	[tilespmem:$0x2E0] =	vst v46  }
0x103: {  	v49 =	vmul.f32 v0, v49;
	[tilespmem:$0x2F0] =	vst v47  }
0x104: {  	v4 =	vld [tilespmem:$0x1FFD0];
	v50 =	vmul.f32 v0, v50;
	[tilespmem:$0x300] =	vst v48  }
0x105: {  	v51 =	vmul.f32 v0, v51;
	[tilespmem:$0x310] =	vst v49  }
0x106: {  	v52 =	vmul.f32 v0, v52;
	[tilespmem:$0x320] =	vst v50  }
0x107: {  	v53 =	vmul.f32 v0, v53;
	[tilespmem:$0x330] =	vst v51  }
0x108: {  	v54 =	vmul.f32 v0, v54;
	[tilespmem:$0x340] =	vst v52  }
0x109: {  	v55 =	vmul.f32 v0, v55;
	[tilespmem:$0x350] =	vst v53;
	v1 =	vmul.f32 v0, v4;
	v4 =	vld [tilespmem:$0x1FFE0]  }
0x10a: {  	v56 =	vmul.f32 v0, v56;
	[tilespmem:$0x360] =	vst v54  }
0x10b: {  	v57 =	vmul.f32 v0, v57;
	[tilespmem:$0x370] =	vst v55  }
0x10c: {  	v58 =	vmul.f32 v0, v58;
	[tilespmem:$0x380] =	vst v56  }
0x10d: {  	v59 =	vmul.f32 v0, v59;
	[tilespmem:$0x390] =	vst v57  }
0x10e: {  	v60 =	vmul.f32 v0, v60;
	[tilespmem:$0x3A0] =	vst v58;
	v2 =	vmul.f32 v0, v4;
	v4 =	vld [tilespmem:$0x1FFF0]  }
0x10f: {  	v61 =	vmul.f32 v0, v61;
	[tilespmem:$0x3B0] =	vst v59  }
0x110: {  	v62 =	vmul.f32 v0, v62;
	[tilespmem:$0x3C0] =	vst v60  }
0x111: {  	[tilespmem:$0x3D0] =	vst v61  }
0x112: {  	[tilespmem:$0x3E0] =	vst v62  }
0x113: {  	[tilespmem:$0x20] =	vst v1;
	v1 =	vmul.f32 v0, v4  }
0x114: {  	[tilespmem:$0x30] =	vst v2;
	v0 =	vmul.f32 v0, v63  }
0x115: {  	p0 =	sne.s32 s3, $0x1;
	[tilespmem:$0x40] =	vst v1  }
.Ltmp1:
0x116: {  	s31 =	rddreg [dreg:$0x4];
	[tilespmem:$0x3F0] =	vst v0;
	(pc) =	sbr.rel @p0 .LBB2_2-.Ltmp1, $4  }
0x117: {  	[hbm4b:s31+s4] =	stream.strided.scatter [tilespmem:s2], [sflag:$0x1], $0x400, s5, s4, $0x38;
	[tilespmem:$0x400] =	vst v63  }
0x118: {  	_ =	swait.ge [sflag:s6], $0x400  }
0x119: {  	[sflag:s6] =	ssyncset.done $0x0  }
0x11a: {  	s3 =	sadd.s32 $0xFFFFFFFF, s3;
	[sflag:s6] =	ssyncadd.s32 $0xFFFFFC00  }
.LBB2_3:
0x11b: {  	_ =	sfence.sel $0x180000  }
0x11c: {  	[bflag:$0x0] =	sbarrier.arrive $0xFFFF  }
0x11d: {  	p0 =	sne.s32 s0, $0x0;
	_ =	strace $0x90000047  }
0x11e: {  	s0 =	sadd.s32 @!p0 $0x100000, s1;
	[bflag:$0x2] =	sbarrier.arrive $0xFFFF  }
0x11f: {  	[sflag:s0] =	ssyncadd.tile.s32 @!p0 $0x1;
	_ =	shalt  }
.Lfunc_end2:
_tile_overlayer_lowered:
.L_overlay_start_2:
0x120: {  	(tag) =	ssettag $0x2  }
0x121: {  	s0 =	rddreg [dreg:$0x0];
	s2 =	stileid.u32  }
0x122: {  	s1 =	rddreg [dreg:$0x1];
	p0 =	sne.s32 s2, $0x0  }
0x123: {  	s3 =	rddreg [dreg:$0x2];
	[bflag:$0x3] =	sbarrier.arrive $0xFFFF;
	s2 =	simm.s32 @!p0 $0x1C01  }
0x124: {  	[timem:s3], [sflag:s2] =	dma.local @!p0 [hbm:s0], s1  }
0x125: {  	s0 =	simm.s32 @!p0 $0x1  }
0x126: {  	_ =	swait.ge @!p0 [sflag:s0], s1  }
0x127: {  	s1 =	ssub.s32 @!p0 $0x0, s1;
	[sflag:s0] =	ssyncset.done @!p0 $0x0  }
0x128: {  	[sflag:s0] =	ssyncadd.s32 @!p0 s1  }
0x129: {  	[bflag:$0x3] =	sbarrier.arrive $0xFFFF  }
0x12a: {  	_ =	shalt  }

</sc_bundles>
